<compile_context>
chip_gen: v7x
topology: tpu7x:2x2x1
jax: 0.10.2.dev20260603
libtpu: 0.0.44.dev20260713+nightly
codegen_flags: <defaults>
</compile_context>

<pallas_src>
import functools

import jax
import jax.numpy as jnp
from jax import lax
from jax.experimental import pallas as pl
from jax.experimental.pallas import tpu as pltpu
from jax.experimental.pallas import tpu_sc as plsc

N_STROKE = 100000
N_BREP = 100000
E_EDGES = 1600000
HID = 512

NW = 32
L = 16
N_PAD = 102400
COLS = N_PAD // NW
CHUNK = 2000
NCHUNK = E_EDGES // (NW * CHUNK)
GCH = 128
NGC = COLS // GCH

ROWS_T = 4096
GRID = N_PAD // ROWS_T


def _wid():
    return lax.axis_index("s") * 2 + lax.axis_index("c")


@functools.partial(
    pl.kernel,
    out_type=jax.ShapeDtypeStruct((NW, N_PAD), jnp.int32),
    mesh=plsc.VectorSubcoreMesh(core_axis_name="c", subcore_axis_name="s"),
    scratch_types=[
        pltpu.VMEM((N_PAD,), jnp.int32),
        pltpu.VMEM((CHUNK,), jnp.int32),
        pltpu.VMEM((CHUNK,), jnp.int32),
        pltpu.SemaphoreType.DMA,
    ],
    compiler_params=pltpu.CompilerParams(needs_layout_passes=False,
                                         use_tc_tiling_on_sc=False),
)
def _scatter_max(bidx_hbm, out_hbm, table, ibuf0, ibuf1, sem):
    wid = _wid()

    neg1 = jnp.full((L,), -1, jnp.int32)

    def init_body(i, _):
        for u in range(8):
            table[pl.ds(i * (8 * L) + u * L, L)] = neg1
        return 0

    lax.fori_loop(0, N_PAD // (8 * L), init_body, 0)

    iota = lax.iota(jnp.int32, L)

    def chunk_off(k):
        return pl.multiple_of((wid + NW * k) * CHUNK, 8)

    def start(k, buf):
        pltpu.async_copy(bidx_hbm.at[pl.ds(chunk_off(k), CHUNK)], buf, sem)

    def wait(k, buf):
        pltpu.make_async_copy(bidx_hbm.at[pl.ds(chunk_off(k), CHUNK)],
                              buf, sem).wait()

    def process(k, buf):
        base0 = (wid + NW * k) * CHUNK

        def vec4_body(i, _):
            b = i * (4 * L)
            idxs = [buf[pl.ds(b + u * L, L)] for u in range(4)]
            vals = [base0 + b + u * L + iota for u in range(4)]
            curs = [plsc.load_gather(table, [ix]) for ix in idxs]
            for u in range(4):
                plsc.store_scatter(table, [idxs[u]], vals[u],
                                   mask=vals[u] > curs[u])
            gots = [plsc.load_gather(table, [ix]) for ix in idxs]
            for u in range(4):
                plsc.store_scatter(table, [idxs[u]], vals[u],
                                   mask=vals[u] > gots[u])
            return 0

        lax.fori_loop(0, (CHUNK // L) // 4, vec4_body, 0)
        bt = (CHUNK // L - 1) * L
        idxt = buf[pl.ds(bt, L)]
        valt = base0 + bt + iota
        curt = plsc.load_gather(table, [idxt])
        plsc.store_scatter(table, [idxt], valt, mask=valt > curt)
        gott = plsc.load_gather(table, [idxt])
        plsc.store_scatter(table, [idxt], valt, mask=valt > gott)

    start(0, ibuf0)

    def pair_body(p, _):
        k0 = 2 * p
        start(k0 + 1, ibuf1)
        wait(k0, ibuf0)
        process(k0, ibuf0)

        @pl.when(k0 + 2 < NCHUNK)
        def _():
            start(k0 + 2, ibuf0)

        wait(k0 + 1, ibuf1)
        process(k0 + 1, ibuf1)
        return 0

    lax.fori_loop(0, NCHUNK // 2, pair_body, 0)
    wait(NCHUNK - 1, ibuf0)
    process(NCHUNK - 1, ibuf0)
    pltpu.sync_copy(table, out_hbm.at[wid])


@functools.partial(
    pl.kernel,
    out_type=jax.ShapeDtypeStruct((N_PAD, 32), jnp.float32),
    mesh=plsc.VectorSubcoreMesh(core_axis_name="c", subcore_axis_name="s"),
    scratch_types=[
        pltpu.VMEM((COLS,), jnp.int32),
        pltpu.VMEM((COLS,), jnp.int32),
        pltpu.VMEM((COLS,), jnp.int32),
        pltpu.VMEM((NGC, GCH), jnp.int32),
        pltpu.VMEM((NGC, GCH), jnp.int32),
        pltpu.VMEM((COLS, 32), jnp.float32),
        pltpu.SemaphoreType.DMA,
    ],
    compiler_params=pltpu.CompilerParams(needs_layout_passes=False,
                                         use_tc_tiling_on_sc=False),
)
def _winner_gather(parts_hbm, stroke_idx_hbm, xs_hbm, emb_out,
                   acc, inb0, inb1, eidx, sidx, rows, sem):
    wid = _wid()
    col0 = pl.multiple_of(wid * COLS, 8)

    def start(t, buf):
        pltpu.async_copy(parts_hbm.at[t, pl.ds(col0, COLS)], buf, sem)

    def wait(t, buf):
        pltpu.make_async_copy(parts_hbm.at[t, pl.ds(col0, COLS)], buf,
                              sem).wait()

    def reduce_from(buf):
        def mx(i, _):
            for u in range(8):
                sl = pl.ds(i * (8 * L) + u * L, L)
                acc[sl] = jnp.maximum(acc[sl], buf[sl])
            return 0

        lax.fori_loop(0, COLS // (8 * L), mx, 0)

    pltpu.sync_copy(parts_hbm.at[0, pl.ds(col0, COLS)], acc)
    start(1, inb0)

    def red_pair(p, _):
        t0 = 1 + 2 * p
        start(t0 + 1, inb1)
        wait(t0, inb0)
        reduce_from(inb0)

        @pl.when(t0 + 2 < NW)
        def _():
            start(t0 + 2, inb0)

        wait(t0 + 1, inb1)
        reduce_from(inb1)
        return 0

    lax.fori_loop(0, (NW - 2) // 2, red_pair, 0)
    wait(NW - 1, inb0)
    reduce_from(inb0)

    def cv_outer(j, _):
        def cv_inner(i, _):
            v = j * 8 + i
            sl = pl.ds(v * L, L)
            le = acc[sl]
            rowid = col0 + v * L + lax.iota(jnp.int32, L)
            eidx[j, pl.ds(i * L, L)] = jnp.where(le >= 0, le, rowid)
            return 0

        lax.fori_loop(0, GCH // L, cv_inner, 0)
        return 0

    lax.fori_loop(0, NGC, cv_outer, 0)

    def g1_start(j, _):
        pltpu.async_copy(stroke_idx_hbm.at[eidx.at[j]], sidx.at[j], sem)
        return 0

    def g1_wait(j, _):
        pltpu.make_async_copy(stroke_idx_hbm.at[eidx.at[j]], sidx.at[j],
                              sem).wait()
        return 0

    def g2_start(j, _):
        pltpu.async_copy(xs_hbm.at[sidx.at[j]],
                         rows.at[pl.ds(j * GCH, GCH)], sem)
        return 0

    def g2_wait(j, _):
        pltpu.make_async_copy(xs_hbm.at[sidx.at[j]],
                              rows.at[pl.ds(j * GCH, GCH)], sem).wait()
        return 0

    lax.fori_loop(0, NGC, g1_start, 0)
    lax.fori_loop(0, NGC, g1_wait, 0)
    lax.fori_loop(0, NGC, g2_start, 0)
    lax.fori_loop(0, NGC, g2_wait, 0)

    pltpu.sync_copy(rows, emb_out.at[pl.ds(col0, COLS)])


def _dot_nt(a, b):
    return lax.dot_general(a, b, (((1,), (1,)), ((), ())),
                           preferred_element_type=jnp.float32)


def _mlp_body(el_ref, xb_ref, wl_ref, bl_ref, w1_ref, b1_ref,
              w2_ref, b2_ref, out_ref):
    el = el_ref[...]
    xb = xb_ref[...]
    wl = wl_ref[...]
    feat = _dot_nt(el, wl[:, :32]) + _dot_nt(xb, wl[:, 32:]) + bl_ref[...]
    h = jnp.maximum(_dot_nt(feat, w1_ref[...]) + b1_ref[...], 0.0)
    logit = _dot_nt(w2_ref[...], h) + b2_ref[0, 0]
    out_ref[...] = jax.nn.sigmoid(logit).reshape(ROWS_T)


_mlp = pl.pallas_call(
    _mlp_body,
    grid=(GRID,),
    in_specs=[
        pl.BlockSpec((ROWS_T, 32), lambda i: (i, 0)),
        pl.BlockSpec((ROWS_T, 32), lambda i: (i, 0)),
        pl.BlockSpec((64, 64), lambda i: (0, 0)),
        pl.BlockSpec((1, 64), lambda i: (0, 0)),
        pl.BlockSpec((HID, 64), lambda i: (0, 0)),
        pl.BlockSpec((1, HID), lambda i: (0, 0)),
        pl.BlockSpec((1, HID), lambda i: (0, 0)),
        pl.BlockSpec(memory_space=pltpu.SMEM),
    ],
    out_specs=pl.BlockSpec((ROWS_T,), lambda i: (i,)),
    out_shape=jax.ShapeDtypeStruct((N_PAD,), jnp.float32),
)


def kernel(x_stroke, x_brep, W_local, b_local, W1, b1, W2, b2,
           stroke_indices, brep_indices):
    parts = _scatter_max(brep_indices)
    emb_left = _winner_gather(parts, stroke_indices, x_stroke)
    out = _mlp(emb_left, x_brep,
               W_local, b_local.reshape(1, 64), W1, b1.reshape(1, HID),
               W2, b2.reshape(1, 1))
    return out[:N_BREP].reshape(N_BREP, 1)

# --- scband reference (transcript-rebuilt; emitter-appended) ---
"""Pipeline reference for scband-sketch-brep-prediction-20435454394854 (READ-ONLY COPY).

The authoritative reference and input builder live on the scoring server;
editing this copy changes nothing except your own understanding.
"""

import jax, jax.numpy as jnp
import numpy as np

N_STROKE = 100000
N_BREP = 100000
E = 1600000
HIDDEN = 512

def setup_inputs(seed: int = 0) -> dict:
    key = jax.random.key(seed)
    ks = jax.random.split(key, 12)
    x_stroke = jax.random.normal(ks[0], (N_STROKE, 32), dtype=jnp.float32)
    x_brep = jax.random.normal(ks[1], (N_BREP, 32), dtype=jnp.float32)
    stroke_indices = jax.random.randint(ks[2], (E,), 0, N_STROKE, dtype=jnp.int32)
    brep_indices = jax.random.randint(ks[3], (E,), 0, N_BREP, dtype=jnp.int32)
    # parameters: local_head Linear(64,64); decoder Linear(64,HIDDEN) -> ReLU -> Linear(HIDDEN,1)
    W_local = jax.random.normal(ks[4], (64, 64), dtype=jnp.float32) * 0.05
    b_local = jnp.zeros((64,), dtype=jnp.float32)
    W1 = jax.random.normal(ks[5], (HIDDEN, 64), dtype=jnp.float32) * 0.05
    b1 = jnp.zeros((HIDDEN,), dtype=jnp.float32)
    W2 = jax.random.normal(ks[6], (1, HIDDEN), dtype=jnp.float32) * 0.05
    b2 = jnp.zeros((1,), dtype=jnp.float32)
    return {
        'x_stroke': x_stroke,
        'x_brep': x_brep,
        'W_local': W_local,
        'b_local': b_local,
        'W1': W1,
        'b1': b1,
        'W2': W2,
        'b2': b2,
        'stroke_indices': stroke_indices,
        'brep_indices': brep_indices,
    }

def reference(x_stroke, x_brep, W_local, b_local, W1, b1, W2, b2, stroke_indices, brep_indices):
    # gather stroke and brep features along the ('stroke','represented_by','brep') edges
    gathered = jnp.concatenate(
        (jnp.take(x_stroke, stroke_indices, axis=0),
         jnp.take(x_brep, brep_indices, axis=0)), axis=-1)
    # scatter-overwrite into a zero-initialized memory of shape [N_brep, 64]
    brep_embeddings = jnp.zeros((x_brep.shape[0], 64), dtype=jnp.float32)
    brep_embeddings = brep_embeddings.at[brep_indices].set(gathered)
    # local head + MLP decoder + sigmoid
    features = brep_embeddings @ W_local.T + b_local
    h = jax.nn.relu(features @ W1.T + b1)
    out = jax.nn.sigmoid(h @ W2.T + b2)
    return out

if __name__ == "__main__":
    import jax
    _d = setup_inputs()
    print(jax.jit(kernel)(*tuple(_d.values())))

</pallas_src>

<mosaic_0001>
#map = affine_map<(d0, d1) -> (0)>
#map1 = affine_map<(d0, d1) -> (0, 0)>
module attributes {stable_mosaic.version = 14 : i64} {
  func.func @_scatter_max(%arg0: i32, %arg1: i32, %arg2: memref<1600000xi32, #tpu.memory_space<hbm>>, %arg3: memref<32x102400xi32, #tpu.memory_space<hbm>>, %arg4: memref<102400xi32, #tpu.memory_space<vmem>>, %arg5: memref<2000xi32, #tpu.memory_space<vmem>>, %arg6: memref<2000xi32, #tpu.memory_space<vmem>>, %arg7: memref<!tpu.dma_semaphore, #tpu.memory_space<semaphore_mem>>) attributes {dimension_semantics = [#tpu.dimension_semantics<core_parallel>, #tpu.dimension_semantics<subcore_parallel>], iteration_bounds = array<i64: 2, 16>, scalar_prefetch = 0 : i64, scratch_operands = 4 : i64, tpu.core_type = #tpu.core_type<sc_vector_subcore>, window_params = [{transform_indices = #map}, {transform_indices = #map1}]} {
    %mul3A = arith.constant 2 : i32
    %mul3A_0 = arith.muli %arg1, %mul3A : i32
    %add3A = arith.addi %mul3A_0, %arg0 : i32
    %broadcast_in_dim3A = arith.constant -1 : i32
    %broadcast_in_dim3A_1 = vector.broadcast %broadcast_in_dim3A : i32 to vector<16xi32>
    %scan3A = arith.constant 0 : i32
    %scan3A_2 = arith.constant 0 : i32
    %scan3A_3 = arith.constant 800 : i32
    %scan3A_4 = arith.addi %scan3A_2, %scan3A_3 : i32
    %scan3A_5 = arith.constant 1 : i32
    %scan3A_6 = scf.for %scan3A_44 = %scan3A_2 to %scan3A_4 step %scan3A_5 iter_args(%scan3A_45 = %scan3A) -> (i32)  : i32 {
      %mul3A_46 = arith.constant 128 : i32
      %mul3A_47 = arith.muli %scan3A_44, %mul3A_46 : i32
      %add3A_48 = arith.constant 0 : i32
      %add3A_49 = arith.addi %mul3A_47, %add3A_48 : i32
      %swap3A = arith.index_cast %add3A_49 : i32 to index
      %swap3A_50 = tpu.vector_load %arg4[%swap3A] {strides = array<i32>} : memref<102400xi32, #tpu.memory_space<vmem>>, vector<16xi32>,
      tpu.vector_store %arg4[%swap3A], %broadcast_in_dim3A_1 {strides = array<i32>} : memref<102400xi32, #tpu.memory_space<vmem>>, vector<16xi32>,
      %mul3A_51 = arith.constant 128 : i32
      %mul3A_52 = arith.muli %scan3A_44, %mul3A_51 : i32
      %add3A_53 = arith.constant 16 : i32
      %add3A_54 = arith.addi %mul3A_52, %add3A_53 : i32
      %swap3A_55 = arith.index_cast %add3A_54 : i32 to index
      %swap3A_56 = tpu.vector_load %arg4[%swap3A_55] {strides = array<i32>} : memref<102400xi32, #tpu.memory_space<vmem>>, vector<16xi32>,
      tpu.vector_store %arg4[%swap3A_55], %broadcast_in_dim3A_1 {strides = array<i32>} : memref<102400xi32, #tpu.memory_space<vmem>>, vector<16xi32>,
      %mul3A_57 = arith.constant 128 : i32
      %mul3A_58 = arith.muli %scan3A_44, %mul3A_57 : i32
      %add3A_59 = arith.constant 32 : i32
      %add3A_60 = arith.addi %mul3A_58, %add3A_59 : i32
      %swap3A_61 = arith.index_cast %add3A_60 : i32 to index
      %swap3A_62 = tpu.vector_load %arg4[%swap3A_61] {strides = array<i32>} : memref<102400xi32, #tpu.memory_space<vmem>>, vector<16xi32>,
      tpu.vector_store %arg4[%swap3A_61], %broadcast_in_dim3A_1 {strides = array<i32>} : memref<102400xi32, #tpu.memory_space<vmem>>, vector<16xi32>,
      %mul3A_63 = arith.constant 128 : i32
      %mul3A_64 = arith.muli %scan3A_44, %mul3A_63 : i32
      %add3A_65 = arith.constant 48 : i32
      %add3A_66 = arith.addi %mul3A_64, %add3A_65 : i32
      %swap3A_67 = arith.index_cast %add3A_66 : i32 to index
      %swap3A_68 = tpu.vector_load %arg4[%swap3A_67] {strides = array<i32>} : memref<102400xi32, #tpu.memory_space<vmem>>, vector<16xi32>,
      tpu.vector_store %arg4[%swap3A_67], %broadcast_in_dim3A_1 {strides = array<i32>} : memref<102400xi32, #tpu.memory_space<vmem>>, vector<16xi32>,
      %mul3A_69 = arith.constant 128 : i32
      %mul3A_70 = arith.muli %scan3A_44, %mul3A_69 : i32
      %add3A_71 = arith.constant 64 : i32
      %add3A_72 = arith.addi %mul3A_70, %add3A_71 : i32
      %swap3A_73 = arith.index_cast %add3A_72 : i32 to index
      %swap3A_74 = tpu.vector_load %arg4[%swap3A_73] {strides = array<i32>} : memref<102400xi32, #tpu.memory_space<vmem>>, vector<16xi32>,
      tpu.vector_store %arg4[%swap3A_73], %broadcast_in_dim3A_1 {strides = array<i32>} : memref<102400xi32, #tpu.memory_space<vmem>>, vector<16xi32>,
      %mul3A_75 = arith.constant 128 : i32
      %mul3A_76 = arith.muli %scan3A_44, %mul3A_75 : i32
      %add3A_77 = arith.constant 80 : i32
      %add3A_78 = arith.addi %mul3A_76, %add3A_77 : i32
      %swap3A_79 = arith.index_cast %add3A_78 : i32 to index
      %swap3A_80 = tpu.vector_load %arg4[%swap3A_79] {strides = array<i32>} : memref<102400xi32, #tpu.memory_space<vmem>>, vector<16xi32>,
      tpu.vector_store %arg4[%swap3A_79], %broadcast_in_dim3A_1 {strides = array<i32>} : memref<102400xi32, #tpu.memory_space<vmem>>, vector<16xi32>,
      %mul3A_81 = arith.constant 128 : i32
      %mul3A_82 = arith.muli %scan3A_44, %mul3A_81 : i32
      %add3A_83 = arith.constant 96 : i32
      %add3A_84 = arith.addi %mul3A_82, %add3A_83 : i32
      %swap3A_85 = arith.index_cast %add3A_84 : i32 to index
      %swap3A_86 = tpu.vector_load %arg4[%swap3A_85] {strides = array<i32>} : memref<102400xi32, #tpu.memory_space<vmem>>, vector<16xi32>,
      tpu.vector_store %arg4[%swap3A_85], %broadcast_in_dim3A_1 {strides = array<i32>} : memref<102400xi32, #tpu.memory_space<vmem>>, vector<16xi32>,
      %mul3A_87 = arith.constant 128 : i32
      %mul3A_88 = arith.muli %scan3A_44, %mul3A_87 : i32
      %add3A_89 = arith.constant 112 : i32
      %add3A_90 = arith.addi %mul3A_88, %add3A_89 : i32
      %swap3A_91 = arith.index_cast %add3A_90 : i32 to index
      %swap3A_92 = tpu.vector_load %arg4[%swap3A_91] {strides = array<i32>} : memref<102400xi32, #tpu.memory_space<vmem>>, vector<16xi32>,
      tpu.vector_store %arg4[%swap3A_91], %broadcast_in_dim3A_1 {strides = array<i32>} : memref<102400xi32, #tpu.memory_space<vmem>>, vector<16xi32>,
      %scan3A_93 = arith.constant 0 : i32
      scf.yield %scan3A_93 : i32
    }
    %scan3A_7 = arith.constant 800 : i32
    %iota3A = tpu.iota {dimensions = array<i32: 0>} : vector<16xi32>
    %add3A_8 = arith.constant 0 : i32
    %add3A_9 = arith.addi %add3A, %add3A_8 : i32
    %mul3A_10 = arith.constant 2000 : i32
    %mul3A_11 = arith.muli %add3A_9, %mul3A_10 : i32
    %multiple_of3A = tpu.assume_multiple %mul3A_11, 8 : i32
    %dma_start3A = tpu.memref_slice %arg2[%multiple_of3A] : memref<1600000xi32, #tpu.memory_space<hbm>> -> memref<2000xi32, #tpu.memory_space<hbm>>
    %dma_start3A_12 = tpu.memref_slice %arg2[%multiple_of3A] : memref<1600000xi32, #tpu.memory_space<hbm>> -> memref<2000xi32, #tpu.memory_space<hbm>>
    tpu.enqueue_dma source(%dma_start3A_12 : memref<2000xi32, #tpu.memory_space<hbm>>) target(%arg5 : memref<2000xi32, #tpu.memory_space<vmem>>) target_semaphore(%arg7 : memref<!tpu.dma_semaphore, #tpu.memory_space<semaphore_mem>>)
    %scan3A_13 = arith.constant 0 : i32
    %scan3A_14 = arith.constant 0 : i32
    %scan3A_15 = arith.constant 12 : i32
    %scan3A_16 = arith.addi %scan3A_14, %scan3A_15 : i32
    %scan3A_17 = arith.constant 1 : i32
    %scan3A_18 = scf.for %scan3A_44 = %scan3A_14 to %scan3A_16 step %scan3A_17 iter_args(%scan3A_45 = %scan3A_13) -> (i32)  : i32 {
      %mul3A_46 = arith.constant 2 : i32
      %mul3A_47 = arith.muli %mul3A_46, %scan3A_44 : i32
      %add3A_48 = arith.constant 1 : i32
      %add3A_49 = arith.addi %mul3A_47, %add3A_48 : i32
      %mul3A_50 = arith.constant 32 : i32
      %mul3A_51 = arith.muli %mul3A_50, %add3A_49 : i32
      %add3A_52 = arith.addi %add3A, %mul3A_51 : i32
      %mul3A_53 = arith.constant 2000 : i32
      %mul3A_54 = arith.muli %add3A_52, %mul3A_53 : i32
      %multiple_of3A_55 = tpu.assume_multiple %mul3A_54, 8 : i32
      %dma_start3A_56 = tpu.memref_slice %arg2[%multiple_of3A_55] : memref<1600000xi32, #tpu.memory_space<hbm>> -> memref<2000xi32, #tpu.memory_space<hbm>>
      %dma_start3A_57 = tpu.memref_slice %arg2[%multiple_of3A_55] : memref<1600000xi32, #tpu.memory_space<hbm>> -> memref<2000xi32, #tpu.memory_space<hbm>>
      tpu.enqueue_dma source(%dma_start3A_57 : memref<2000xi32, #tpu.memory_space<hbm>>) target(%arg6 : memref<2000xi32, #tpu.memory_space<vmem>>) target_semaphore(%arg7 : memref<!tpu.dma_semaphore, #tpu.memory_space<semaphore_mem>>)
      %mul3A_58 = arith.constant 32 : i32
      %mul3A_59 = arith.muli %mul3A_58, %mul3A_47 : i32
      %add3A_60 = arith.addi %add3A, %mul3A_59 : i32
      %mul3A_61 = arith.constant 2000 : i32
      %mul3A_62 = arith.muli %add3A_60, %mul3A_61 : i32
      %multiple_of3A_63 = tpu.assume_multiple %mul3A_62, 8 : i32
      %dma_wait3A_64 = tpu.memref_slice %arg2[%multiple_of3A_63] : memref<1600000xi32, #tpu.memory_space<hbm>> -> memref<2000xi32, #tpu.memory_space<hbm>>
      %dma_wait3A_65 = tpu.memref_slice %arg2[%multiple_of3A_63] : memref<1600000xi32, #tpu.memory_space<hbm>> -> memref<2000xi32, #tpu.memory_space<hbm>>
      tpu.wait_dma2 semaphore(%arg7 : memref<!tpu.dma_semaphore, #tpu.memory_space<semaphore_mem>>) src(%dma_wait3A_65 : memref<2000xi32, #tpu.memory_space<hbm>>) dst(%arg5 : memref<2000xi32, #tpu.memory_space<vmem>>)
      %mul3A_66 = arith.constant 32 : i32
      %mul3A_67 = arith.muli %mul3A_66, %mul3A_47 : i32
      %add3A_68 = arith.addi %add3A, %mul3A_67 : i32
      %mul3A_69 = arith.constant 2000 : i32
      %mul3A_70 = arith.muli %add3A_68, %mul3A_69 : i32
      %scan3A_71 = arith.constant 0 : i32
      %scan3A_72 = arith.constant 0 : i32
      %scan3A_73 = arith.constant 31 : i32
      %scan3A_74 = arith.addi %scan3A_72, %scan3A_73 : i32
      %scan3A_75 = arith.constant 1 : i32
      %scan3A_76 = scf.for %scan3A_127 = %scan3A_72 to %scan3A_74 step %scan3A_75 iter_args(%scan3A_128 = %scan3A_71) -> (i32)  : i32 {
        %mul3A_129 = arith.constant 64 : i32
        %mul3A_130 = arith.muli %scan3A_127, %mul3A_129 : i32
        %add3A_131 = arith.constant 0 : i32
        %add3A_132 = arith.addi %mul3A_130, %add3A_131 : i32
        %get3A_133 = arith.index_cast %add3A_132 : i32 to index
        %get3A_134 = tpu.vector_load %arg5[%get3A_133] {strides = array<i32>} : memref<2000xi32, #tpu.memory_space<vmem>>, vector<16xi32>,
        %add3A_135 = arith.constant 16 : i32
        %add3A_136 = arith.addi %mul3A_130, %add3A_135 : i32
        %get3A_137 = arith.index_cast %add3A_136 : i32 to index
        %get3A_138 = tpu.vector_load %arg5[%get3A_137] {strides = array<i32>} : memref<2000xi32, #tpu.memory_space<vmem>>, vector<16xi32>,
        %add3A_139 = arith.constant 32 : i32
        %add3A_140 = arith.addi %mul3A_130, %add3A_139 : i32
        %get3A_141 = arith.index_cast %add3A_140 : i32 to index
        %get3A_142 = tpu.vector_load %arg5[%get3A_141] {strides = array<i32>} : memref<2000xi32, #tpu.memory_space<vmem>>, vector<16xi32>,
        %add3A_143 = arith.constant 48 : i32
        %add3A_144 = arith.addi %mul3A_130, %add3A_143 : i32
        %get3A_145 = arith.index_cast %add3A_144 : i32 to index
        %get3A_146 = tpu.vector_load %arg5[%get3A_145] {strides = array<i32>} : memref<2000xi32, #tpu.memory_space<vmem>>, vector<16xi32>,
        %add3A_147 = arith.addi %mul3A_70, %mul3A_130 : i32
        %add3A_148 = arith.constant 0 : i32
        %add3A_149 = arith.addi %add3A_147, %add3A_148 : i32
        %add3A_150 = vector.broadcast %add3A_149 : i32 to vector<16xi32>
        %add3A_151 = arith.addi %add3A_150, %iota3A : vector<16xi32>
        %add3A_152 = arith.addi %mul3A_70, %mul3A_130 : i32
        %add3A_153 = arith.constant 16 : i32
        %add3A_154 = arith.addi %add3A_152, %add3A_153 : i32
        %add3A_155 = vector.broadcast %add3A_154 : i32 to vector<16xi32>
        %add3A_156 = arith.addi %add3A_155, %iota3A : vector<16xi32>
        %add3A_157 = arith.addi %mul3A_70, %mul3A_130 : i32
        %add3A_158 = arith.constant 32 : i32
        %add3A_159 = arith.addi %add3A_157, %add3A_158 : i32
        %add3A_160 = vector.broadcast %add3A_159 : i32 to vector<16xi32>
        %add3A_161 = arith.addi %add3A_160, %iota3A : vector<16xi32>
        %add3A_162 = arith.addi %mul3A_70, %mul3A_130 : i32
        %add3A_163 = arith.constant 48 : i32
        %add3A_164 = arith.addi %add3A_162, %add3A_163 : i32
        %add3A_165 = vector.broadcast %add3A_164 : i32 to vector<16xi32>
        %add3A_166 = arith.addi %add3A_165, %iota3A : vector<16xi32>
        %gather3A_167 = tpu.vector_load_idx %arg4[%get3A_134] : memref<102400xi32, #tpu.memory_space<vmem>>[vector<16xi32>], vector<16xi32>,
        %gather3A_168 = tpu.vector_load_idx %arg4[%get3A_138] : memref<102400xi32, #tpu.memory_space<vmem>>[vector<16xi32>], vector<16xi32>,
        %gather3A_169 = tpu.vector_load_idx %arg4[%get3A_142] : memref<102400xi32, #tpu.memory_space<vmem>>[vector<16xi32>], vector<16xi32>,
        %gather3A_170 = tpu.vector_load_idx %arg4[%get3A_146] : memref<102400xi32, #tpu.memory_space<vmem>>[vector<16xi32>], vector<16xi32>,
        %gt3A_171 = arith.cmpi sgt, %add3A_151, %gather3A_167 : vector<16xi32>
        tpu.vector_store_idx %arg4[%get3A_134], %add3A_151 masked %gt3A_171 : memref<102400xi32, #tpu.memory_space<vmem>>[vector<16xi32>], vector<16xi32>, vector<16xi1>
        %gt3A_172 = arith.cmpi sgt, %add3A_156, %gather3A_168 : vector<16xi32>
        tpu.vector_store_idx %arg4[%get3A_138], %add3A_156 masked %gt3A_172 : memref<102400xi32, #tpu.memory_space<vmem>>[vector<16xi32>], vector<16xi32>, vector<16xi1>
        %gt3A_173 = arith.cmpi sgt, %add3A_161, %gather3A_169 : vector<16xi32>
        tpu.vector_store_idx %arg4[%get3A_142], %add3A_161 masked %gt3A_173 : memref<102400xi32, #tpu.memory_space<vmem>>[vector<16xi32>], vector<16xi32>, vector<16xi1>
        %gt3A_174 = arith.cmpi sgt, %add3A_166, %gather3A_170 : vector<16xi32>
        tpu.vector_store_idx %arg4[%get3A_146], %add3A_166 masked %gt3A_174 : memref<102400xi32, #tpu.memory_space<vmem>>[vector<16xi32>], vector<16xi32>, vector<16xi1>
        %gather3A_175 = tpu.vector_load_idx %arg4[%get3A_134] : memref<102400xi32, #tpu.memory_space<vmem>>[vector<16xi32>], vector<16xi32>,
        %gather3A_176 = tpu.vector_load_idx %arg4[%get3A_138] : memref<102400xi32, #tpu.memory_space<vmem>>[vector<16xi32>], vector<16xi32>,
        %gather3A_177 = tpu.vector_load_idx %arg4[%get3A_142] : memref<102400xi32, #tpu.memory_space<vmem>>[vector<16xi32>], vector<16xi32>,
        %gather3A_178 = tpu.vector_load_idx %arg4[%get3A_146] : memref<102400xi32, #tpu.memory_space<vmem>>[vector<16xi32>], vector<16xi32>,
        %gt3A_179 = arith.cmpi sgt, %add3A_151, %gather3A_175 : vector<16xi32>
        tpu.vector_store_idx %arg4[%get3A_134], %add3A_151 masked %gt3A_179 : memref<102400xi32, #tpu.memory_space<vmem>>[vector<16xi32>], vector<16xi32>, vector<16xi1>
        %gt3A_180 = arith.cmpi sgt, %add3A_156, %gather3A_176 : vector<16xi32>
        tpu.vector_store_idx %arg4[%get3A_138], %add3A_156 masked %gt3A_180 : memref<102400xi32, #tpu.memory_space<vmem>>[vector<16xi32>], vector<16xi32>, vector<16xi1>
        %gt3A_181 = arith.cmpi sgt, %add3A_161, %gather3A_177 : vector<16xi32>
        tpu.vector_store_idx %arg4[%get3A_142], %add3A_161 masked %gt3A_181 : memref<102400xi32, #tpu.memory_space<vmem>>[vector<16xi32>], vector<16xi32>, vector<16xi1>
        %gt3A_182 = arith.cmpi sgt, %add3A_166, %gather3A_178 : vector<16xi32>
        tpu.vector_store_idx %arg4[%get3A_146], %add3A_166 masked %gt3A_182 : memref<102400xi32, #tpu.memory_space<vmem>>[vector<16xi32>], vector<16xi32>, vector<16xi1>
        %scan3A_183 = arith.constant 0 : i32
        scf.yield %scan3A_183 : i32
      }
      %scan3A_77 = arith.constant 31 : i32
      %get3A_78 = arith.constant 1984 : index
      %get3A_79 = tpu.vector_load %arg5[%get3A_78] {strides = array<i32>} : memref<2000xi32, #tpu.memory_space<vmem>>, vector<16xi32>,
      %add3A_80 = arith.constant 1984 : i32
      %add3A_81 = arith.addi %mul3A_70, %add3A_80 : i32
      %add3A_82 = vector.broadcast %add3A_81 : i32 to vector<16xi32>
      %add3A_83 = arith.addi %add3A_82, %iota3A : vector<16xi32>
      %gather3A_84 = tpu.vector_load_idx %arg4[%get3A_79] : memref<102400xi32, #tpu.memory_space<vmem>>[vector<16xi32>], vector<16xi32>,
      %gt3A_85 = arith.cmpi sgt, %add3A_83, %gather3A_84 : vector<16xi32>
      tpu.vector_store_idx %arg4[%get3A_79], %add3A_83 masked %gt3A_85 : memref<102400xi32, #tpu.memory_space<vmem>>[vector<16xi32>], vector<16xi32>, vector<16xi1>
      %gather3A_86 = tpu.vector_load_idx %arg4[%get3A_79] : memref<102400xi32, #tpu.memory_space<vmem>>[vector<16xi32>], vector<16xi32>,
      %gt3A_87 = arith.cmpi sgt, %add3A_83, %gather3A_86 : vector<16xi32>
      tpu.vector_store_idx %arg4[%get3A_79], %add3A_83 masked %gt3A_87 : memref<102400xi32, #tpu.memory_space<vmem>>[vector<16xi32>], vector<16xi32>, vector<16xi1>
      %add3A_88 = arith.constant 2 : i32
      %add3A_89 = arith.addi %mul3A_47, %add3A_88 : i32
      %lt3A = arith.constant 25 : i32
      %lt3A_90 = arith.cmpi slt, %add3A_89, %lt3A : i32
      %convert_element_type3A = arith.extui %lt3A_90 : i1 to i32
      %cond3A = arith.constant 0 : i32
      %cond3A_91 = arith.cmpi ne, %convert_element_type3A, %cond3A : i32
      scf.if %cond3A_91 {
        %add3A_127 = arith.constant 2 : i32
        %add3A_128 = arith.addi %mul3A_47, %add3A_127 : i32
        %mul3A_129 = arith.constant 32 : i32
        %mul3A_130 = arith.muli %mul3A_129, %add3A_128 : i32
        %add3A_131 = arith.addi %add3A, %mul3A_130 : i32
        %mul3A_132 = arith.constant 2000 : i32
        %mul3A_133 = arith.muli %add3A_131, %mul3A_132 : i32
        %multiple_of3A_134 = tpu.assume_multiple %mul3A_133, 8 : i32
        %dma_start3A_135 = tpu.memref_slice %arg2[%multiple_of3A_134] : memref<1600000xi32, #tpu.memory_space<hbm>> -> memref<2000xi32, #tpu.memory_space<hbm>>
        %dma_start3A_136 = tpu.memref_slice %arg2[%multiple_of3A_134] : memref<1600000xi32, #tpu.memory_space<hbm>> -> memref<2000xi32, #tpu.memory_space<hbm>>
        tpu.enqueue_dma source(%dma_start3A_136 : memref<2000xi32, #tpu.memory_space<hbm>>) target(%arg5 : memref<2000xi32, #tpu.memory_space<vmem>>) target_semaphore(%arg7 : memref<!tpu.dma_semaphore, #tpu.memory_space<semaphore_mem>>)
      } else {
      }
      %add3A_92 = arith.constant 1 : i32
      %add3A_93 = arith.addi %mul3A_47, %add3A_92 : i32
      %mul3A_94 = arith.constant 32 : i32
      %mul3A_95 = arith.muli %mul3A_94, %add3A_93 : i32
      %add3A_96 = arith.addi %add3A, %mul3A_95 : i32
      %mul3A_97 = arith.constant 2000 : i32
      %mul3A_98 = arith.muli %add3A_96, %mul3A_97 : i32
      %multiple_of3A_99 = tpu.assume_multiple %mul3A_98, 8 : i32
      %dma_wait3A_100 = tpu.memref_slice %arg2[%multiple_of3A_99] : memref<1600000xi32, #tpu.memory_space<hbm>> -> memref<2000xi32, #tpu.memory_space<hbm>>
      %dma_wait3A_101 = tpu.memref_slice %arg2[%multiple_of3A_99] : memref<1600000xi32, #tpu.memory_space<hbm>> -> memref<2000xi32, #tpu.memory_space<hbm>>
      tpu.wait_dma2 semaphore(%arg7 : memref<!tpu.dma_semaphore, #tpu.memory_space<semaphore_mem>>) src(%dma_wait3A_101 : memref<2000xi32, #tpu.memory_space<hbm>>) dst(%arg6 : memref<2000xi32, #tpu.memory_space<vmem>>)
      %add3A_102 = arith.constant 1 : i32
      %add3A_103 = arith.addi %mul3A_47, %add3A_102 : i32
      %mul3A_104 = arith.constant 32 : i32
      %mul3A_105 = arith.muli %mul3A_104, %add3A_103 : i32
      %add3A_106 = arith.addi %add3A, %mul3A_105 : i32
      %mul3A_107 = arith.constant 2000 : i32
      %mul3A_108 = arith.muli %add3A_106, %mul3A_107 : i32
      %scan3A_109 = arith.constant 0 : i32
      %scan3A_110 = arith.constant 0 : i32
      %scan3A_111 = arith.constant 31 : i32
      %scan3A_112 = arith.addi %scan3A_110, %scan3A_111 : i32
      %scan3A_113 = arith.constant 1 : i32
      %scan3A_114 = scf.for %scan3A_127 = %scan3A_110 to %scan3A_112 step %scan3A_113 iter_args(%scan3A_128 = %scan3A_109) -> (i32)  : i32 {
        %mul3A_129 = arith.constant 64 : i32
        %mul3A_130 = arith.muli %scan3A_127, %mul3A_129 : i32
        %add3A_131 = arith.constant 0 : i32
        %add3A_132 = arith.addi %mul3A_130, %add3A_131 : i32
        %get3A_133 = arith.index_cast %add3A_132 : i32 to index
        %get3A_134 = tpu.vector_load %arg6[%get3A_133] {strides = array<i32>} : memref<2000xi32, #tpu.memory_space<vmem>>, vector<16xi32>,
        %add3A_135 = arith.constant 16 : i32
        %add3A_136 = arith.addi %mul3A_130, %add3A_135 : i32
        %get3A_137 = arith.index_cast %add3A_136 : i32 to index
        %get3A_138 = tpu.vector_load %arg6[%get3A_137] {strides = array<i32>} : memref<2000xi32, #tpu.memory_space<vmem>>, vector<16xi32>,
        %add3A_139 = arith.constant 32 : i32
        %add3A_140 = arith.addi %mul3A_130, %add3A_139 : i32
        %get3A_141 = arith.index_cast %add3A_140 : i32 to index
        %get3A_142 = tpu.vector_load %arg6[%get3A_141] {strides = array<i32>} : memref<2000xi32, #tpu.memory_space<vmem>>, vector<16xi32>,
        %add3A_143 = arith.constant 48 : i32
        %add3A_144 = arith.addi %mul3A_130, %add3A_143 : i32
        %get3A_145 = arith.index_cast %add3A_144 : i32 to index
        %get3A_146 = tpu.vector_load %arg6[%get3A_145] {strides = array<i32>} : memref<2000xi32, #tpu.memory_space<vmem>>, vector<16xi32>,
        %add3A_147 = arith.addi %mul3A_108, %mul3A_130 : i32
        %add3A_148 = arith.constant 0 : i32
        %add3A_149 = arith.addi %add3A_147, %add3A_148 : i32
        %add3A_150 = vector.broadcast %add3A_149 : i32 to vector<16xi32>
        %add3A_151 = arith.addi %add3A_150, %iota3A : vector<16xi32>
        %add3A_152 = arith.addi %mul3A_108, %mul3A_130 : i32
        %add3A_153 = arith.constant 16 : i32
        %add3A_154 = arith.addi %add3A_152, %add3A_153 : i32
        %add3A_155 = vector.broadcast %add3A_154 : i32 to vector<16xi32>
        %add3A_156 = arith.addi %add3A_155, %iota3A : vector<16xi32>
        %add3A_157 = arith.addi %mul3A_108, %mul3A_130 : i32
        %add3A_158 = arith.constant 32 : i32
        %add3A_159 = arith.addi %add3A_157, %add3A_158 : i32
        %add3A_160 = vector.broadcast %add3A_159 : i32 to vector<16xi32>
        %add3A_161 = arith.addi %add3A_160, %iota3A : vector<16xi32>
        %add3A_162 = arith.addi %mul3A_108, %mul3A_130 : i32
        %add3A_163 = arith.constant 48 : i32
        %add3A_164 = arith.addi %add3A_162, %add3A_163 : i32
        %add3A_165 = vector.broadcast %add3A_164 : i32 to vector<16xi32>
        %add3A_166 = arith.addi %add3A_165, %iota3A : vector<16xi32>
        %gather3A_167 = tpu.vector_load_idx %arg4[%get3A_134] : memref<102400xi32, #tpu.memory_space<vmem>>[vector<16xi32>], vector<16xi32>,
        %gather3A_168 = tpu.vector_load_idx %arg4[%get3A_138] : memref<102400xi32, #tpu.memory_space<vmem>>[vector<16xi32>], vector<16xi32>,
        %gather3A_169 = tpu.vector_load_idx %arg4[%get3A_142] : memref<102400xi32, #tpu.memory_space<vmem>>[vector<16xi32>], vector<16xi32>,
        %gather3A_170 = tpu.vector_load_idx %arg4[%get3A_146] : memref<102400xi32, #tpu.memory_space<vmem>>[vector<16xi32>], vector<16xi32>,
        %gt3A_171 = arith.cmpi sgt, %add3A_151, %gather3A_167 : vector<16xi32>
        tpu.vector_store_idx %arg4[%get3A_134], %add3A_151 masked %gt3A_171 : memref<102400xi32, #tpu.memory_space<vmem>>[vector<16xi32>], vector<16xi32>, vector<16xi1>
        %gt3A_172 = arith.cmpi sgt, %add3A_156, %gather3A_168 : vector<16xi32>
        tpu.vector_store_idx %arg4[%get3A_138], %add3A_156 masked %gt3A_172 : memref<102400xi32, #tpu.memory_space<vmem>>[vector<16xi32>], vector<16xi32>, vector<16xi1>
        %gt3A_173 = arith.cmpi sgt, %add3A_161, %gather3A_169 : vector<16xi32>
        tpu.vector_store_idx %arg4[%get3A_142], %add3A_161 masked %gt3A_173 : memref<102400xi32, #tpu.memory_space<vmem>>[vector<16xi32>], vector<16xi32>, vector<16xi1>
        %gt3A_174 = arith.cmpi sgt, %add3A_166, %gather3A_170 : vector<16xi32>
        tpu.vector_store_idx %arg4[%get3A_146], %add3A_166 masked %gt3A_174 : memref<102400xi32, #tpu.memory_space<vmem>>[vector<16xi32>], vector<16xi32>, vector<16xi1>
        %gather3A_175 = tpu.vector_load_idx %arg4[%get3A_134] : memref<102400xi32, #tpu.memory_space<vmem>>[vector<16xi32>], vector<16xi32>,
        %gather3A_176 = tpu.vector_load_idx %arg4[%get3A_138] : memref<102400xi32, #tpu.memory_space<vmem>>[vector<16xi32>], vector<16xi32>,
        %gather3A_177 = tpu.vector_load_idx %arg4[%get3A_142] : memref<102400xi32, #tpu.memory_space<vmem>>[vector<16xi32>], vector<16xi32>,
        %gather3A_178 = tpu.vector_load_idx %arg4[%get3A_146] : memref<102400xi32, #tpu.memory_space<vmem>>[vector<16xi32>], vector<16xi32>,
        %gt3A_179 = arith.cmpi sgt, %add3A_151, %gather3A_175 : vector<16xi32>
        tpu.vector_store_idx %arg4[%get3A_134], %add3A_151 masked %gt3A_179 : memref<102400xi32, #tpu.memory_space<vmem>>[vector<16xi32>], vector<16xi32>, vector<16xi1>
        %gt3A_180 = arith.cmpi sgt, %add3A_156, %gather3A_176 : vector<16xi32>
        tpu.vector_store_idx %arg4[%get3A_138], %add3A_156 masked %gt3A_180 : memref<102400xi32, #tpu.memory_space<vmem>>[vector<16xi32>], vector<16xi32>, vector<16xi1>
        %gt3A_181 = arith.cmpi sgt, %add3A_161, %gather3A_177 : vector<16xi32>
        tpu.vector_store_idx %arg4[%get3A_142], %add3A_161 masked %gt3A_181 : memref<102400xi32, #tpu.memory_space<vmem>>[vector<16xi32>], vector<16xi32>, vector<16xi1>
        %gt3A_182 = arith.cmpi sgt, %add3A_166, %gather3A_178 : vector<16xi32>
        tpu.vector_store_idx %arg4[%get3A_146], %add3A_166 masked %gt3A_182 : memref<102400xi32, #tpu.memory_space<vmem>>[vector<16xi32>], vector<16xi32>, vector<16xi1>
        %scan3A_183 = arith.constant 0 : i32
        scf.yield %scan3A_183 : i32
      }
      %scan3A_115 = arith.constant 31 : i32
      %get3A_116 = arith.constant 1984 : index
      %get3A_117 = tpu.vector_load %arg6[%get3A_116] {strides = array<i32>} : memref<2000xi32, #tpu.memory_space<vmem>>, vector<16xi32>,
      %add3A_118 = arith.constant 1984 : i32
      %add3A_119 = arith.addi %mul3A_108, %add3A_118 : i32
      %add3A_120 = vector.broadcast %add3A_119 : i32 to vector<16xi32>
      %add3A_121 = arith.addi %add3A_120, %iota3A : vector<16xi32>
      %gather3A_122 = tpu.vector_load_idx %arg4[%get3A_117] : memref<102400xi32, #tpu.memory_space<vmem>>[vector<16xi32>], vector<16xi32>,
      %gt3A_123 = arith.cmpi sgt, %add3A_121, %gather3A_122 : vector<16xi32>
      tpu.vector_store_idx %arg4[%get3A_117], %add3A_121 masked %gt3A_123 : memref<102400xi32, #tpu.memory_space<vmem>>[vector<16xi32>], vector<16xi32>, vector<16xi1>
      %gather3A_124 = tpu.vector_load_idx %arg4[%get3A_117] : memref<102400xi32, #tpu.memory_space<vmem>>[vector<16xi32>], vector<16xi32>,
      %gt3A_125 = arith.cmpi sgt, %add3A_121, %gather3A_124 : vector<16xi32>
      tpu.vector_store_idx %arg4[%get3A_117], %add3A_121 masked %gt3A_125 : memref<102400xi32, #tpu.memory_space<vmem>>[vector<16xi32>], vector<16xi32>, vector<16xi1>
      %scan3A_126 = arith.constant 0 : i32
      scf.yield %scan3A_126 : i32
    }
    %scan3A_19 = arith.constant 12 : i32
    %add3A_20 = arith.constant 768 : i32
    %add3A_21 = arith.addi %add3A, %add3A_20 : i32
    %mul3A_22 = arith.constant 2000 : i32
    %mul3A_23 = arith.muli %add3A_21, %mul3A_22 : i32
    %multiple_of3A_24 = tpu.assume_multiple %mul3A_23, 8 : i32
    %dma_wait3A = tpu.memref_slice %arg2[%multiple_of3A_24] : memref<1600000xi32, #tpu.memory_space<hbm>> -> memref<2000xi32, #tpu.memory_space<hbm>>
    %dma_wait3A_25 = tpu.memref_slice %arg2[%multiple_of3A_24] : memref<1600000xi32, #tpu.memory_space<hbm>> -> memref<2000xi32, #tpu.memory_space<hbm>>
    tpu.wait_dma2 semaphore(%arg7 : memref<!tpu.dma_semaphore, #tpu.memory_space<semaphore_mem>>) src(%dma_wait3A_25 : memref<2000xi32, #tpu.memory_space<hbm>>) dst(%arg5 : memref<2000xi32, #tpu.memory_space<vmem>>)
    %add3A_26 = arith.constant 768 : i32
    %add3A_27 = arith.addi %add3A, %add3A_26 : i32
    %mul3A_28 = arith.constant 2000 : i32
    %mul3A_29 = arith.muli %add3A_27, %mul3A_28 : i32
    %scan3A_30 = arith.constant 0 : i32
    %scan3A_31 = arith.constant 0 : i32
    %scan3A_32 = arith.constant 31 : i32
    %scan3A_33 = arith.addi %scan3A_31, %scan3A_32 : i32
    %scan3A_34 = arith.constant 1 : i32
    %scan3A_35 = scf.for %scan3A_44 = %scan3A_31 to %scan3A_33 step %scan3A_34 iter_args(%scan3A_45 = %scan3A_30) -> (i32)  : i32 {
      %mul3A_46 = arith.constant 64 : i32
      %mul3A_47 = arith.muli %scan3A_44, %mul3A_46 : i32
      %add3A_48 = arith.constant 0 : i32
      %add3A_49 = arith.addi %mul3A_47, %add3A_48 : i32
      %get3A_50 = arith.index_cast %add3A_49 : i32 to index
      %get3A_51 = tpu.vector_load %arg5[%get3A_50] {strides = array<i32>} : memref<2000xi32, #tpu.memory_space<vmem>>, vector<16xi32>,
      %add3A_52 = arith.constant 16 : i32
      %add3A_53 = arith.addi %mul3A_47, %add3A_52 : i32
      %get3A_54 = arith.index_cast %add3A_53 : i32 to index
      %get3A_55 = tpu.vector_load %arg5[%get3A_54] {strides = array<i32>} : memref<2000xi32, #tpu.memory_space<vmem>>, vector<16xi32>,
      %add3A_56 = arith.constant 32 : i32
      %add3A_57 = arith.addi %mul3A_47, %add3A_56 : i32
      %get3A_58 = arith.index_cast %add3A_57 : i32 to index
      %get3A_59 = tpu.vector_load %arg5[%get3A_58] {strides = array<i32>} : memref<2000xi32, #tpu.memory_space<vmem>>, vector<16xi32>,
      %add3A_60 = arith.constant 48 : i32
      %add3A_61 = arith.addi %mul3A_47, %add3A_60 : i32
      %get3A_62 = arith.index_cast %add3A_61 : i32 to index
      %get3A_63 = tpu.vector_load %arg5[%get3A_62] {strides = array<i32>} : memref<2000xi32, #tpu.memory_space<vmem>>, vector<16xi32>,
      %add3A_64 = arith.addi %mul3A_29, %mul3A_47 : i32
      %add3A_65 = arith.constant 0 : i32
      %add3A_66 = arith.addi %add3A_64, %add3A_65 : i32
      %add3A_67 = vector.broadcast %add3A_66 : i32 to vector<16xi32>
      %add3A_68 = arith.addi %add3A_67, %iota3A : vector<16xi32>
      %add3A_69 = arith.addi %mul3A_29, %mul3A_47 : i32
      %add3A_70 = arith.constant 16 : i32
      %add3A_71 = arith.addi %add3A_69, %add3A_70 : i32
      %add3A_72 = vector.broadcast %add3A_71 : i32 to vector<16xi32>
      %add3A_73 = arith.addi %add3A_72, %iota3A : vector<16xi32>
      %add3A_74 = arith.addi %mul3A_29, %mul3A_47 : i32
      %add3A_75 = arith.constant 32 : i32
      %add3A_76 = arith.addi %add3A_74, %add3A_75 : i32
      %add3A_77 = vector.broadcast %add3A_76 : i32 to vector<16xi32>
      %add3A_78 = arith.addi %add3A_77, %iota3A : vector<16xi32>
      %add3A_79 = arith.addi %mul3A_29, %mul3A_47 : i32
      %add3A_80 = arith.constant 48 : i32
      %add3A_81 = arith.addi %add3A_79, %add3A_80 : i32
      %add3A_82 = vector.broadcast %add3A_81 : i32 to vector<16xi32>
      %add3A_83 = arith.addi %add3A_82, %iota3A : vector<16xi32>
      %gather3A_84 = tpu.vector_load_idx %arg4[%get3A_51] : memref<102400xi32, #tpu.memory_space<vmem>>[vector<16xi32>], vector<16xi32>,
      %gather3A_85 = tpu.vector_load_idx %arg4[%get3A_55] : memref<102400xi32, #tpu.memory_space<vmem>>[vector<16xi32>], vector<16xi32>,
      %gather3A_86 = tpu.vector_load_idx %arg4[%get3A_59] : memref<102400xi32, #tpu.memory_space<vmem>>[vector<16xi32>], vector<16xi32>,
      %gather3A_87 = tpu.vector_load_idx %arg4[%get3A_63] : memref<102400xi32, #tpu.memory_space<vmem>>[vector<16xi32>], vector<16xi32>,
      %gt3A_88 = arith.cmpi sgt, %add3A_68, %gather3A_84 : vector<16xi32>
      tpu.vector_store_idx %arg4[%get3A_51], %add3A_68 masked %gt3A_88 : memref<102400xi32, #tpu.memory_space<vmem>>[vector<16xi32>], vector<16xi32>, vector<16xi1>
      %gt3A_89 = arith.cmpi sgt, %add3A_73, %gather3A_85 : vector<16xi32>
      tpu.vector_store_idx %arg4[%get3A_55], %add3A_73 masked %gt3A_89 : memref<102400xi32, #tpu.memory_space<vmem>>[vector<16xi32>], vector<16xi32>, vector<16xi1>
      %gt3A_90 = arith.cmpi sgt, %add3A_78, %gather3A_86 : vector<16xi32>
      tpu.vector_store_idx %arg4[%get3A_59], %add3A_78 masked %gt3A_90 : memref<102400xi32, #tpu.memory_space<vmem>>[vector<16xi32>], vector<16xi32>, vector<16xi1>
      %gt3A_91 = arith.cmpi sgt, %add3A_83, %gather3A_87 : vector<16xi32>
      tpu.vector_store_idx %arg4[%get3A_63], %add3A_83 masked %gt3A_91 : memref<102400xi32, #tpu.memory_space<vmem>>[vector<16xi32>], vector<16xi32>, vector<16xi1>
      %gather3A_92 = tpu.vector_load_idx %arg4[%get3A_51] : memref<102400xi32, #tpu.memory_space<vmem>>[vector<16xi32>], vector<16xi32>,
      %gather3A_93 = tpu.vector_load_idx %arg4[%get3A_55] : memref<102400xi32, #tpu.memory_space<vmem>>[vector<16xi32>], vector<16xi32>,
      %gather3A_94 = tpu.vector_load_idx %arg4[%get3A_59] : memref<102400xi32, #tpu.memory_space<vmem>>[vector<16xi32>], vector<16xi32>,
      %gather3A_95 = tpu.vector_load_idx %arg4[%get3A_63] : memref<102400xi32, #tpu.memory_space<vmem>>[vector<16xi32>], vector<16xi32>,
      %gt3A_96 = arith.cmpi sgt, %add3A_68, %gather3A_92 : vector<16xi32>
      tpu.vector_store_idx %arg4[%get3A_51], %add3A_68 masked %gt3A_96 : memref<102400xi32, #tpu.memory_space<vmem>>[vector<16xi32>], vector<16xi32>, vector<16xi1>
      %gt3A_97 = arith.cmpi sgt, %add3A_73, %gather3A_93 : vector<16xi32>
      tpu.vector_store_idx %arg4[%get3A_55], %add3A_73 masked %gt3A_97 : memref<102400xi32, #tpu.memory_space<vmem>>[vector<16xi32>], vector<16xi32>, vector<16xi1>
      %gt3A_98 = arith.cmpi sgt, %add3A_78, %gather3A_94 : vector<16xi32>
      tpu.vector_store_idx %arg4[%get3A_59], %add3A_78 masked %gt3A_98 : memref<102400xi32, #tpu.memory_space<vmem>>[vector<16xi32>], vector<16xi32>, vector<16xi1>
      %gt3A_99 = arith.cmpi sgt, %add3A_83, %gather3A_95 : vector<16xi32>
      tpu.vector_store_idx %arg4[%get3A_63], %add3A_83 masked %gt3A_99 : memref<102400xi32, #tpu.memory_space<vmem>>[vector<16xi32>], vector<16xi32>, vector<16xi1>
      %scan3A_100 = arith.constant 0 : i32
      scf.yield %scan3A_100 : i32
    }
    %scan3A_36 = arith.constant 31 : i32
    %get3A = arith.constant 1984 : index
    %get3A_37 = tpu.vector_load %arg5[%get3A] {strides = array<i32>} : memref<2000xi32, #tpu.memory_space<vmem>>, vector<16xi32>,
    %add3A_38 = arith.constant 1984 : i32
    %add3A_39 = arith.addi %mul3A_29, %add3A_38 : i32
    %add3A_40 = vector.broadcast %add3A_39 : i32 to vector<16xi32>
    %add3A_41 = arith.addi %add3A_40, %iota3A : vector<16xi32>
    %gather3A = tpu.vector_load_idx %arg4[%get3A_37] : memref<102400xi32, #tpu.memory_space<vmem>>[vector<16xi32>], vector<16xi32>,
    %gt3A = arith.cmpi sgt, %add3A_41, %gather3A : vector<16xi32>
    tpu.vector_store_idx %arg4[%get3A_37], %add3A_41 masked %gt3A : memref<102400xi32, #tpu.memory_space<vmem>>[vector<16xi32>], vector<16xi32>, vector<16xi1>
    %gather3A_42 = tpu.vector_load_idx %arg4[%get3A_37] : memref<102400xi32, #tpu.memory_space<vmem>>[vector<16xi32>], vector<16xi32>,
    %gt3A_43 = arith.cmpi sgt, %add3A_41, %gather3A_42 : vector<16xi32>
    tpu.vector_store_idx %arg4[%get3A_37], %add3A_41 masked %gt3A_43 : memref<102400xi32, #tpu.memory_space<vmem>>[vector<16xi32>], vector<16xi32>, vector<16xi1>
    "tpu.region"() ({
      %run_scoped3A = tpu.sem_alloc : memref<!tpu.dma_semaphore, #tpu.memory_space<semaphore_mem>>
      %dma_start3A_44 = arith.constant 0 : i32
      %dma_start3A_45 = tpu.memref_slice %arg3[%add3A, %dma_start3A_44] : memref<32x102400xi32, #tpu.memory_space<hbm>> -> memref<1x102400xi32, #tpu.memory_space<hbm>>
      %dma_start3A_46 = tpu.memref_squeeze %dma_start3A_45 : memref<1x102400xi32, #tpu.memory_space<hbm>> -> memref<102400xi32, #tpu.memory_space<hbm>>
      %dma_start3A_47 = arith.constant 0 : i32
      %dma_start3A_48 = tpu.memref_slice %arg3[%add3A, %dma_start3A_47] : memref<32x102400xi32, #tpu.memory_space<hbm>> -> memref<1x102400xi32, #tpu.memory_space<hbm>>
      %dma_start3A_49 = tpu.memref_squeeze %dma_start3A_48 : memref<1x102400xi32, #tpu.memory_space<hbm>> -> memref<102400xi32, #tpu.memory_space<hbm>>
      tpu.enqueue_dma source(%arg4 : memref<102400xi32, #tpu.memory_space<vmem>>) target(%dma_start3A_49 : memref<102400xi32, #tpu.memory_space<hbm>>) target_semaphore(%run_scoped3A : memref<!tpu.dma_semaphore, #tpu.memory_space<semaphore_mem>>)
      %dma_wait3A_50 = arith.constant 0 : i32
      %dma_wait3A_51 = tpu.memref_slice %arg3[%add3A, %dma_wait3A_50] : memref<32x102400xi32, #tpu.memory_space<hbm>> -> memref<1x102400xi32, #tpu.memory_space<hbm>>
      %dma_wait3A_52 = tpu.memref_squeeze %dma_wait3A_51 : memref<1x102400xi32, #tpu.memory_space<hbm>> -> memref<102400xi32, #tpu.memory_space<hbm>>
      %dma_wait3A_53 = arith.constant 0 : i32
      %dma_wait3A_54 = tpu.memref_slice %arg3[%add3A, %dma_wait3A_53] : memref<32x102400xi32, #tpu.memory_space<hbm>> -> memref<1x102400xi32, #tpu.memory_space<hbm>>
      %dma_wait3A_55 = tpu.memref_squeeze %dma_wait3A_54 : memref<1x102400xi32, #tpu.memory_space<hbm>> -> memref<102400xi32, #tpu.memory_space<hbm>>
      tpu.wait_dma2 semaphore(%run_scoped3A : memref<!tpu.dma_semaphore, #tpu.memory_space<semaphore_mem>>) src(%arg4 : memref<102400xi32, #tpu.memory_space<vmem>>) dst(%dma_wait3A_55 : memref<102400xi32, #tpu.memory_space<hbm>>)
      tpu.yield
    }) : () -> ()
    return
  }
}

#map = affine_map<(d0, d1) -> (0, 0)>
#map1 = affine_map<(d0, d1) -> (0)>
module attributes {stable_mosaic.version = 14 : i64} {
  func.func @_winner_gather(%arg0: i32, %arg1: i32, %arg2: memref<32x102400xi32, #tpu.memory_space<hbm>>, %arg3: memref<1600000xi32, #tpu.memory_space<hbm>>, %arg4: memref<100000x32xf32, #tpu.memory_space<hbm>>, %arg5: memref<102400x32xf32, #tpu.memory_space<hbm>>, %arg6: memref<3200xi32, #tpu.memory_space<vmem>>, %arg7: memref<3200xi32, #tpu.memory_space<vmem>>, %arg8: memref<3200xi32, #tpu.memory_space<vmem>>, %arg9: memref<25x128xi32, #tpu.memory_space<vmem>>, %arg10: memref<25x128xi32, #tpu.memory_space<vmem>>, %arg11: memref<3200x32xf32, #tpu.memory_space<vmem>>, %arg12: memref<!tpu.dma_semaphore, #tpu.memory_space<semaphore_mem>>) attributes {dimension_semantics = [#tpu.dimension_semantics<core_parallel>, #tpu.dimension_semantics<subcore_parallel>], iteration_bounds = array<i64: 2, 16>, scalar_prefetch = 0 : i64, scratch_operands = 7 : i64, tpu.core_type = #tpu.core_type<sc_vector_subcore>, window_params = [{transform_indices = #map}, {transform_indices = #map1}, {transform_indices = #map}, {transform_indices = #map}]} {
    %mul3A = arith.constant 2 : i32
    %mul3A_0 = arith.muli %arg1, %mul3A : i32
    %add3A = arith.addi %mul3A_0, %arg0 : i32
    %mul3A_1 = arith.constant 3200 : i32
    %mul3A_2 = arith.muli %add3A, %mul3A_1 : i32
    %multiple_of3A = tpu.assume_multiple %mul3A_2, 8 : i32
    %run_scoped3A = arith.constant 0 : i32
    "tpu.region"() ({
      %run_scoped3A_59 = tpu.sem_alloc : memref<!tpu.dma_semaphore, #tpu.memory_space<semaphore_mem>>
      %dma_start3A_60 = tpu.memref_slice %arg2[%run_scoped3A, %multiple_of3A] : memref<32x102400xi32, #tpu.memory_space<hbm>> -> memref<1x3200xi32, #tpu.memory_space<hbm>>
      %dma_start3A_61 = tpu.memref_squeeze %dma_start3A_60 : memref<1x3200xi32, #tpu.memory_space<hbm>> -> memref<3200xi32, #tpu.memory_space<hbm>>
      %dma_start3A_62 = tpu.memref_slice %arg2[%run_scoped3A, %multiple_of3A] : memref<32x102400xi32, #tpu.memory_space<hbm>> -> memref<1x3200xi32, #tpu.memory_space<hbm>>
      %dma_start3A_63 = tpu.memref_squeeze %dma_start3A_62 : memref<1x3200xi32, #tpu.memory_space<hbm>> -> memref<3200xi32, #tpu.memory_space<hbm>>
      tpu.enqueue_dma source(%dma_start3A_63 : memref<3200xi32, #tpu.memory_space<hbm>>) target(%arg6 : memref<3200xi32, #tpu.memory_space<vmem>>) target_semaphore(%run_scoped3A_59 : memref<!tpu.dma_semaphore, #tpu.memory_space<semaphore_mem>>)
      %dma_wait3A_64 = tpu.memref_slice %arg2[%run_scoped3A, %multiple_of3A] : memref<32x102400xi32, #tpu.memory_space<hbm>> -> memref<1x3200xi32, #tpu.memory_space<hbm>>
      %dma_wait3A_65 = tpu.memref_squeeze %dma_wait3A_64 : memref<1x3200xi32, #tpu.memory_space<hbm>> -> memref<3200xi32, #tpu.memory_space<hbm>>
      %dma_wait3A_66 = tpu.memref_slice %arg2[%run_scoped3A, %multiple_of3A] : memref<32x102400xi32, #tpu.memory_space<hbm>> -> memref<1x3200xi32, #tpu.memory_space<hbm>>
      %dma_wait3A_67 = tpu.memref_squeeze %dma_wait3A_66 : memref<1x3200xi32, #tpu.memory_space<hbm>> -> memref<3200xi32, #tpu.memory_space<hbm>>
      tpu.wait_dma2 semaphore(%run_scoped3A_59 : memref<!tpu.dma_semaphore, #tpu.memory_space<semaphore_mem>>) src(%dma_wait3A_67 : memref<3200xi32, #tpu.memory_space<hbm>>) dst(%arg6 : memref<3200xi32, #tpu.memory_space<vmem>>)
      tpu.yield
    }) : () -> ()
    %dma_start3A = arith.constant 1 : i32
    %dma_start3A_3 = tpu.memref_slice %arg2[%dma_start3A, %multiple_of3A] : memref<32x102400xi32, #tpu.memory_space<hbm>> -> memref<1x3200xi32, #tpu.memory_space<hbm>>
    %dma_start3A_4 = tpu.memref_squeeze %dma_start3A_3 : memref<1x3200xi32, #tpu.memory_space<hbm>> -> memref<3200xi32, #tpu.memory_space<hbm>>
    %dma_start3A_5 = tpu.memref_slice %arg2[%dma_start3A, %multiple_of3A] : memref<32x102400xi32, #tpu.memory_space<hbm>> -> memref<1x3200xi32, #tpu.memory_space<hbm>>
    %dma_start3A_6 = tpu.memref_squeeze %dma_start3A_5 : memref<1x3200xi32, #tpu.memory_space<hbm>> -> memref<3200xi32, #tpu.memory_space<hbm>>
    tpu.enqueue_dma source(%dma_start3A_6 : memref<3200xi32, #tpu.memory_space<hbm>>) target(%arg7 : memref<3200xi32, #tpu.memory_space<vmem>>) target_semaphore(%arg12 : memref<!tpu.dma_semaphore, #tpu.memory_space<semaphore_mem>>)
    %scan3A = arith.constant 0 : i32
    %scan3A_7 = arith.constant 0 : i32
    %scan3A_8 = arith.constant 15 : i32
    %scan3A_9 = arith.addi %scan3A_7, %scan3A_8 : i32
    %scan3A_10 = arith.constant 1 : i32
    %scan3A_11 = scf.for %scan3A_59 = %scan3A_7 to %scan3A_9 step %scan3A_10 iter_args(%scan3A_60 = %scan3A) -> (i32)  : i32 {
      %mul3A_61 = arith.constant 2 : i32
      %mul3A_62 = arith.muli %mul3A_61, %scan3A_59 : i32
      %add3A_63 = arith.constant 1 : i32
      %add3A_64 = arith.addi %add3A_63, %mul3A_62 : i32
      %add3A_65 = arith.constant 1 : i32
      %add3A_66 = arith.addi %add3A_64, %add3A_65 : i32
      %dma_start3A_67 = tpu.memref_slice %arg2[%add3A_66, %multiple_of3A] : memref<32x102400xi32, #tpu.memory_space<hbm>> -> memref<1x3200xi32, #tpu.memory_space<hbm>>
      %dma_start3A_68 = tpu.memref_squeeze %dma_start3A_67 : memref<1x3200xi32, #tpu.memory_space<hbm>> -> memref<3200xi32, #tpu.memory_space<hbm>>
      %dma_start3A_69 = tpu.memref_slice %arg2[%add3A_66, %multiple_of3A] : memref<32x102400xi32, #tpu.memory_space<hbm>> -> memref<1x3200xi32, #tpu.memory_space<hbm>>
      %dma_start3A_70 = tpu.memref_squeeze %dma_start3A_69 : memref<1x3200xi32, #tpu.memory_space<hbm>> -> memref<3200xi32, #tpu.memory_space<hbm>>
      tpu.enqueue_dma source(%dma_start3A_70 : memref<3200xi32, #tpu.memory_space<hbm>>) target(%arg8 : memref<3200xi32, #tpu.memory_space<vmem>>) target_semaphore(%arg12 : memref<!tpu.dma_semaphore, #tpu.memory_space<semaphore_mem>>)
      %dma_wait3A_71 = tpu.memref_slice %arg2[%add3A_64, %multiple_of3A] : memref<32x102400xi32, #tpu.memory_space<hbm>> -> memref<1x3200xi32, #tpu.memory_space<hbm>>
      %dma_wait3A_72 = tpu.memref_squeeze %dma_wait3A_71 : memref<1x3200xi32, #tpu.memory_space<hbm>> -> memref<3200xi32, #tpu.memory_space<hbm>>
      %dma_wait3A_73 = tpu.memref_slice %arg2[%add3A_64, %multiple_of3A] : memref<32x102400xi32, #tpu.memory_space<hbm>> -> memref<1x3200xi32, #tpu.memory_space<hbm>>
      %dma_wait3A_74 = tpu.memref_squeeze %dma_wait3A_73 : memref<1x3200xi32, #tpu.memory_space<hbm>> -> memref<3200xi32, #tpu.memory_space<hbm>>
      tpu.wait_dma2 semaphore(%arg12 : memref<!tpu.dma_semaphore, #tpu.memory_space<semaphore_mem>>) src(%dma_wait3A_74 : memref<3200xi32, #tpu.memory_space<hbm>>) dst(%arg7 : memref<3200xi32, #tpu.memory_space<vmem>>)
      %scan3A_75 = arith.constant 0 : i32
      %scan3A_76 = arith.constant 0 : i32
      %scan3A_77 = arith.constant 25 : i32
      %scan3A_78 = arith.addi %scan3A_76, %scan3A_77 : i32
      %scan3A_79 = arith.constant 1 : i32
      %scan3A_80 = scf.for %scan3A_100 = %scan3A_76 to %scan3A_78 step %scan3A_79 iter_args(%scan3A_101 = %scan3A_75) -> (i32)  : i32 {
        %mul3A_102 = arith.constant 128 : i32
        %mul3A_103 = arith.muli %scan3A_100, %mul3A_102 : i32
        %add3A_104 = arith.constant 0 : i32
        %add3A_105 = arith.addi %mul3A_103, %add3A_104 : i32
        %get3A = arith.index_cast %add3A_105 : i32 to index
        %get3A_106 = tpu.vector_load %arg6[%get3A] {strides = array<i32>} : memref<3200xi32, #tpu.memory_space<vmem>>, vector<16xi32>,
        %get3A_107 = arith.index_cast %add3A_105 : i32 to index
        %get3A_108 = tpu.vector_load %arg7[%get3A_107] {strides = array<i32>} : memref<3200xi32, #tpu.memory_space<vmem>>, vector<16xi32>,
        %max3A = arith.maxsi %get3A_106, %get3A_108 : vector<16xi32>
        %swap3A = arith.index_cast %add3A_105 : i32 to index
        %swap3A_109 = tpu.vector_load %arg6[%swap3A] {strides = array<i32>} : memref<3200xi32, #tpu.memory_space<vmem>>, vector<16xi32>,
        tpu.vector_store %arg6[%swap3A], %max3A {strides = array<i32>} : memref<3200xi32, #tpu.memory_space<vmem>>, vector<16xi32>,
        %mul3A_110 = arith.constant 128 : i32
        %mul3A_111 = arith.muli %scan3A_100, %mul3A_110 : i32
        %add3A_112 = arith.constant 16 : i32
        %add3A_113 = arith.addi %mul3A_111, %add3A_112 : i32
        %get3A_114 = arith.index_cast %add3A_113 : i32 to index
        %get3A_115 = tpu.vector_load %arg6[%get3A_114] {strides = array<i32>} : memref<3200xi32, #tpu.memory_space<vmem>>, vector<16xi32>,
        %get3A_116 = arith.index_cast %add3A_113 : i32 to index
        %get3A_117 = tpu.vector_load %arg7[%get3A_116] {strides = array<i32>} : memref<3200xi32, #tpu.memory_space<vmem>>, vector<16xi32>,
        %max3A_118 = arith.maxsi %get3A_115, %get3A_117 : vector<16xi32>
        %swap3A_119 = arith.index_cast %add3A_113 : i32 to index
        %swap3A_120 = tpu.vector_load %arg6[%swap3A_119] {strides = array<i32>} : memref<3200xi32, #tpu.memory_space<vmem>>, vector<16xi32>,
        tpu.vector_store %arg6[%swap3A_119], %max3A_118 {strides = array<i32>} : memref<3200xi32, #tpu.memory_space<vmem>>, vector<16xi32>,
        %mul3A_121 = arith.constant 128 : i32
        %mul3A_122 = arith.muli %scan3A_100, %mul3A_121 : i32
        %add3A_123 = arith.constant 32 : i32
        %add3A_124 = arith.addi %mul3A_122, %add3A_123 : i32
        %get3A_125 = arith.index_cast %add3A_124 : i32 to index
        %get3A_126 = tpu.vector_load %arg6[%get3A_125] {strides = array<i32>} : memref<3200xi32, #tpu.memory_space<vmem>>, vector<16xi32>,
        %get3A_127 = arith.index_cast %add3A_124 : i32 to index
        %get3A_128 = tpu.vector_load %arg7[%get3A_127] {strides = array<i32>} : memref<3200xi32, #tpu.memory_space<vmem>>, vector<16xi32>,
        %max3A_129 = arith.maxsi %get3A_126, %get3A_128 : vector<16xi32>
        %swap3A_130 = arith.index_cast %add3A_124 : i32 to index
        %swap3A_131 = tpu.vector_load %arg6[%swap3A_130] {strides = array<i32>} : memref<3200xi32, #tpu.memory_space<vmem>>, vector<16xi32>,
        tpu.vector_store %arg6[%swap3A_130], %max3A_129 {strides = array<i32>} : memref<3200xi32, #tpu.memory_space<vmem>>, vector<16xi32>,
        %mul3A_132 = arith.constant 128 : i32
        %mul3A_133 = arith.muli %scan3A_100, %mul3A_132 : i32
        %add3A_134 = arith.constant 48 : i32
        %add3A_135 = arith.addi %mul3A_133, %add3A_134 : i32
        %get3A_136 = arith.index_cast %add3A_135 : i32 to index
        %get3A_137 = tpu.vector_load %arg6[%get3A_136] {strides = array<i32>} : memref<3200xi32, #tpu.memory_space<vmem>>, vector<16xi32>,
        %get3A_138 = arith.index_cast %add3A_135 : i32 to index
        %get3A_139 = tpu.vector_load %arg7[%get3A_138] {strides = array<i32>} : memref<3200xi32, #tpu.memory_space<vmem>>, vector<16xi32>,
        %max3A_140 = arith.maxsi %get3A_137, %get3A_139 : vector<16xi32>
        %swap3A_141 = arith.index_cast %add3A_135 : i32 to index
        %swap3A_142 = tpu.vector_load %arg6[%swap3A_141] {strides = array<i32>} : memref<3200xi32, #tpu.memory_space<vmem>>, vector<16xi32>,
        tpu.vector_store %arg6[%swap3A_141], %max3A_140 {strides = array<i32>} : memref<3200xi32, #tpu.memory_space<vmem>>, vector<16xi32>,
        %mul3A_143 = arith.constant 128 : i32
        %mul3A_144 = arith.muli %scan3A_100, %mul3A_143 : i32
        %add3A_145 = arith.constant 64 : i32
        %add3A_146 = arith.addi %mul3A_144, %add3A_145 : i32
        %get3A_147 = arith.index_cast %add3A_146 : i32 to index
        %get3A_148 = tpu.vector_load %arg6[%get3A_147] {strides = array<i32>} : memref<3200xi32, #tpu.memory_space<vmem>>, vector<16xi32>,
        %get3A_149 = arith.index_cast %add3A_146 : i32 to index
        %get3A_150 = tpu.vector_load %arg7[%get3A_149] {strides = array<i32>} : memref<3200xi32, #tpu.memory_space<vmem>>, vector<16xi32>,
        %max3A_151 = arith.maxsi %get3A_148, %get3A_150 : vector<16xi32>
        %swap3A_152 = arith.index_cast %add3A_146 : i32 to index
        %swap3A_153 = tpu.vector_load %arg6[%swap3A_152] {strides = array<i32>} : memref<3200xi32, #tpu.memory_space<vmem>>, vector<16xi32>,
        tpu.vector_store %arg6[%swap3A_152], %max3A_151 {strides = array<i32>} : memref<3200xi32, #tpu.memory_space<vmem>>, vector<16xi32>,
        %mul3A_154 = arith.constant 128 : i32
        %mul3A_155 = arith.muli %scan3A_100, %mul3A_154 : i32
        %add3A_156 = arith.constant 80 : i32
        %add3A_157 = arith.addi %mul3A_155, %add3A_156 : i32
        %get3A_158 = arith.index_cast %add3A_157 : i32 to index
        %get3A_159 = tpu.vector_load %arg6[%get3A_158] {strides = array<i32>} : memref<3200xi32, #tpu.memory_space<vmem>>, vector<16xi32>,
        %get3A_160 = arith.index_cast %add3A_157 : i32 to index
        %get3A_161 = tpu.vector_load %arg7[%get3A_160] {strides = array<i32>} : memref<3200xi32, #tpu.memory_space<vmem>>, vector<16xi32>,
        %max3A_162 = arith.maxsi %get3A_159, %get3A_161 : vector<16xi32>
        %swap3A_163 = arith.index_cast %add3A_157 : i32 to index
        %swap3A_164 = tpu.vector_load %arg6[%swap3A_163] {strides = array<i32>} : memref<3200xi32, #tpu.memory_space<vmem>>, vector<16xi32>,
        tpu.vector_store %arg6[%swap3A_163], %max3A_162 {strides = array<i32>} : memref<3200xi32, #tpu.memory_space<vmem>>, vector<16xi32>,
        %mul3A_165 = arith.constant 128 : i32
        %mul3A_166 = arith.muli %scan3A_100, %mul3A_165 : i32
        %add3A_167 = arith.constant 96 : i32
        %add3A_168 = arith.addi %mul3A_166, %add3A_167 : i32
        %get3A_169 = arith.index_cast %add3A_168 : i32 to index
        %get3A_170 = tpu.vector_load %arg6[%get3A_169] {strides = array<i32>} : memref<3200xi32, #tpu.memory_space<vmem>>, vector<16xi32>,
        %get3A_171 = arith.index_cast %add3A_168 : i32 to index
        %get3A_172 = tpu.vector_load %arg7[%get3A_171] {strides = array<i32>} : memref<3200xi32, #tpu.memory_space<vmem>>, vector<16xi32>,
        %max3A_173 = arith.maxsi %get3A_170, %get3A_172 : vector<16xi32>
        %swap3A_174 = arith.index_cast %add3A_168 : i32 to index
        %swap3A_175 = tpu.vector_load %arg6[%swap3A_174] {strides = array<i32>} : memref<3200xi32, #tpu.memory_space<vmem>>, vector<16xi32>,
        tpu.vector_store %arg6[%swap3A_174], %max3A_173 {strides = array<i32>} : memref<3200xi32, #tpu.memory_space<vmem>>, vector<16xi32>,
        %mul3A_176 = arith.constant 128 : i32
        %mul3A_177 = arith.muli %scan3A_100, %mul3A_176 : i32
        %add3A_178 = arith.constant 112 : i32
        %add3A_179 = arith.addi %mul3A_177, %add3A_178 : i32
        %get3A_180 = arith.index_cast %add3A_179 : i32 to index
        %get3A_181 = tpu.vector_load %arg6[%get3A_180] {strides = array<i32>} : memref<3200xi32, #tpu.memory_space<vmem>>, vector<16xi32>,
        %get3A_182 = arith.index_cast %add3A_179 : i32 to index
        %get3A_183 = tpu.vector_load %arg7[%get3A_182] {strides = array<i32>} : memref<3200xi32, #tpu.memory_space<vmem>>, vector<16xi32>,
        %max3A_184 = arith.maxsi %get3A_181, %get3A_183 : vector<16xi32>
        %swap3A_185 = arith.index_cast %add3A_179 : i32 to index
        %swap3A_186 = tpu.vector_load %arg6[%swap3A_185] {strides = array<i32>} : memref<3200xi32, #tpu.memory_space<vmem>>, vector<16xi32>,
        tpu.vector_store %arg6[%swap3A_185], %max3A_184 {strides = array<i32>} : memref<3200xi32, #tpu.memory_space<vmem>>, vector<16xi32>,
        %scan3A_187 = arith.constant 0 : i32
        scf.yield %scan3A_187 : i32
      }
      %scan3A_81 = arith.constant 25 : i32
      %add3A_82 = arith.constant 2 : i32
      %add3A_83 = arith.addi %add3A_64, %add3A_82 : i32
      %lt3A = arith.constant 32 : i32
      %lt3A_84 = arith.cmpi slt, %add3A_83, %lt3A : i32
      %convert_element_type3A = arith.extui %lt3A_84 : i1 to i32
      %cond3A = arith.constant 0 : i32
      %cond3A_85 = arith.cmpi ne, %convert_element_type3A, %cond3A : i32
      scf.if %cond3A_85 {
        %add3A_100 = arith.constant 2 : i32
        %add3A_101 = arith.addi %add3A_64, %add3A_100 : i32
        %dma_start3A_102 = tpu.memref_slice %arg2[%add3A_101, %multiple_of3A] : memref<32x102400xi32, #tpu.memory_space<hbm>> -> memref<1x3200xi32, #tpu.memory_space<hbm>>
        %dma_start3A_103 = tpu.memref_squeeze %dma_start3A_102 : memref<1x3200xi32, #tpu.memory_space<hbm>> -> memref<3200xi32, #tpu.memory_space<hbm>>
        %dma_start3A_104 = tpu.memref_slice %arg2[%add3A_101, %multiple_of3A] : memref<32x102400xi32, #tpu.memory_space<hbm>> -> memref<1x3200xi32, #tpu.memory_space<hbm>>
        %dma_start3A_105 = tpu.memref_squeeze %dma_start3A_104 : memref<1x3200xi32, #tpu.memory_space<hbm>> -> memref<3200xi32, #tpu.memory_space<hbm>>
        tpu.enqueue_dma source(%dma_start3A_105 : memref<3200xi32, #tpu.memory_space<hbm>>) target(%arg7 : memref<3200xi32, #tpu.memory_space<vmem>>) target_semaphore(%arg12 : memref<!tpu.dma_semaphore, #tpu.memory_space<semaphore_mem>>)
      } else {
      }
      %add3A_86 = arith.constant 1 : i32
      %add3A_87 = arith.addi %add3A_64, %add3A_86 : i32
      %dma_wait3A_88 = tpu.memref_slice %arg2[%add3A_87, %multiple_of3A] : memref<32x102400xi32, #tpu.memory_space<hbm>> -> memref<1x3200xi32, #tpu.memory_space<hbm>>
      %dma_wait3A_89 = tpu.memref_squeeze %dma_wait3A_88 : memref<1x3200xi32, #tpu.memory_space<hbm>> -> memref<3200xi32, #tpu.memory_space<hbm>>
      %dma_wait3A_90 = tpu.memref_slice %arg2[%add3A_87, %multiple_of3A] : memref<32x102400xi32, #tpu.memory_space<hbm>> -> memref<1x3200xi32, #tpu.memory_space<hbm>>
      %dma_wait3A_91 = tpu.memref_squeeze %dma_wait3A_90 : memref<1x3200xi32, #tpu.memory_space<hbm>> -> memref<3200xi32, #tpu.memory_space<hbm>>
      tpu.wait_dma2 semaphore(%arg12 : memref<!tpu.dma_semaphore, #tpu.memory_space<semaphore_mem>>) src(%dma_wait3A_91 : memref<3200xi32, #tpu.memory_space<hbm>>) dst(%arg8 : memref<3200xi32, #tpu.memory_space<vmem>>)
      %scan3A_92 = arith.constant 0 : i32
      %scan3A_93 = arith.constant 0 : i32
      %scan3A_94 = arith.constant 25 : i32
      %scan3A_95 = arith.addi %scan3A_93, %scan3A_94 : i32
      %scan3A_96 = arith.constant 1 : i32
      %scan3A_97 = scf.for %scan3A_100 = %scan3A_93 to %scan3A_95 step %scan3A_96 iter_args(%scan3A_101 = %scan3A_92) -> (i32)  : i32 {
        %mul3A_102 = arith.constant 128 : i32
        %mul3A_103 = arith.muli %scan3A_100, %mul3A_102 : i32
        %add3A_104 = arith.constant 0 : i32
        %add3A_105 = arith.addi %mul3A_103, %add3A_104 : i32
        %get3A = arith.index_cast %add3A_105 : i32 to index
        %get3A_106 = tpu.vector_load %arg6[%get3A] {strides = array<i32>} : memref<3200xi32, #tpu.memory_space<vmem>>, vector<16xi32>,
        %get3A_107 = arith.index_cast %add3A_105 : i32 to index
        %get3A_108 = tpu.vector_load %arg8[%get3A_107] {strides = array<i32>} : memref<3200xi32, #tpu.memory_space<vmem>>, vector<16xi32>,
        %max3A = arith.maxsi %get3A_106, %get3A_108 : vector<16xi32>
        %swap3A = arith.index_cast %add3A_105 : i32 to index
        %swap3A_109 = tpu.vector_load %arg6[%swap3A] {strides = array<i32>} : memref<3200xi32, #tpu.memory_space<vmem>>, vector<16xi32>,
        tpu.vector_store %arg6[%swap3A], %max3A {strides = array<i32>} : memref<3200xi32, #tpu.memory_space<vmem>>, vector<16xi32>,
        %mul3A_110 = arith.constant 128 : i32
        %mul3A_111 = arith.muli %scan3A_100, %mul3A_110 : i32
        %add3A_112 = arith.constant 16 : i32
        %add3A_113 = arith.addi %mul3A_111, %add3A_112 : i32
        %get3A_114 = arith.index_cast %add3A_113 : i32 to index
        %get3A_115 = tpu.vector_load %arg6[%get3A_114] {strides = array<i32>} : memref<3200xi32, #tpu.memory_space<vmem>>, vector<16xi32>,
        %get3A_116 = arith.index_cast %add3A_113 : i32 to index
        %get3A_117 = tpu.vector_load %arg8[%get3A_116] {strides = array<i32>} : memref<3200xi32, #tpu.memory_space<vmem>>, vector<16xi32>,
        %max3A_118 = arith.maxsi %get3A_115, %get3A_117 : vector<16xi32>
        %swap3A_119 = arith.index_cast %add3A_113 : i32 to index
        %swap3A_120 = tpu.vector_load %arg6[%swap3A_119] {strides = array<i32>} : memref<3200xi32, #tpu.memory_space<vmem>>, vector<16xi32>,
        tpu.vector_store %arg6[%swap3A_119], %max3A_118 {strides = array<i32>} : memref<3200xi32, #tpu.memory_space<vmem>>, vector<16xi32>,
        %mul3A_121 = arith.constant 128 : i32
        %mul3A_122 = arith.muli %scan3A_100, %mul3A_121 : i32
        %add3A_123 = arith.constant 32 : i32
        %add3A_124 = arith.addi %mul3A_122, %add3A_123 : i32
        %get3A_125 = arith.index_cast %add3A_124 : i32 to index
        %get3A_126 = tpu.vector_load %arg6[%get3A_125] {strides = array<i32>} : memref<3200xi32, #tpu.memory_space<vmem>>, vector<16xi32>,
        %get3A_127 = arith.index_cast %add3A_124 : i32 to index
        %get3A_128 = tpu.vector_load %arg8[%get3A_127] {strides = array<i32>} : memref<3200xi32, #tpu.memory_space<vmem>>, vector<16xi32>,
        %max3A_129 = arith.maxsi %get3A_126, %get3A_128 : vector<16xi32>
        %swap3A_130 = arith.index_cast %add3A_124 : i32 to index
        %swap3A_131 = tpu.vector_load %arg6[%swap3A_130] {strides = array<i32>} : memref<3200xi32, #tpu.memory_space<vmem>>, vector<16xi32>,
        tpu.vector_store %arg6[%swap3A_130], %max3A_129 {strides = array<i32>} : memref<3200xi32, #tpu.memory_space<vmem>>, vector<16xi32>,
        %mul3A_132 = arith.constant 128 : i32
        %mul3A_133 = arith.muli %scan3A_100, %mul3A_132 : i32
        %add3A_134 = arith.constant 48 : i32
        %add3A_135 = arith.addi %mul3A_133, %add3A_134 : i32
        %get3A_136 = arith.index_cast %add3A_135 : i32 to index
        %get3A_137 = tpu.vector_load %arg6[%get3A_136] {strides = array<i32>} : memref<3200xi32, #tpu.memory_space<vmem>>, vector<16xi32>,
        %get3A_138 = arith.index_cast %add3A_135 : i32 to index
        %get3A_139 = tpu.vector_load %arg8[%get3A_138] {strides = array<i32>} : memref<3200xi32, #tpu.memory_space<vmem>>, vector<16xi32>,
        %max3A_140 = arith.maxsi %get3A_137, %get3A_139 : vector<16xi32>
        %swap3A_141 = arith.index_cast %add3A_135 : i32 to index
        %swap3A_142 = tpu.vector_load %arg6[%swap3A_141] {strides = array<i32>} : memref<3200xi32, #tpu.memory_space<vmem>>, vector<16xi32>,
        tpu.vector_store %arg6[%swap3A_141], %max3A_140 {strides = array<i32>} : memref<3200xi32, #tpu.memory_space<vmem>>, vector<16xi32>,
        %mul3A_143 = arith.constant 128 : i32
        %mul3A_144 = arith.muli %scan3A_100, %mul3A_143 : i32
        %add3A_145 = arith.constant 64 : i32
        %add3A_146 = arith.addi %mul3A_144, %add3A_145 : i32
        %get3A_147 = arith.index_cast %add3A_146 : i32 to index
        %get3A_148 = tpu.vector_load %arg6[%get3A_147] {strides = array<i32>} : memref<3200xi32, #tpu.memory_space<vmem>>, vector<16xi32>,
        %get3A_149 = arith.index_cast %add3A_146 : i32 to index
        %get3A_150 = tpu.vector_load %arg8[%get3A_149] {strides = array<i32>} : memref<3200xi32, #tpu.memory_space<vmem>>, vector<16xi32>,
        %max3A_151 = arith.maxsi %get3A_148, %get3A_150 : vector<16xi32>
        %swap3A_152 = arith.index_cast %add3A_146 : i32 to index
        %swap3A_153 = tpu.vector_load %arg6[%swap3A_152] {strides = array<i32>} : memref<3200xi32, #tpu.memory_space<vmem>>, vector<16xi32>,
        tpu.vector_store %arg6[%swap3A_152], %max3A_151 {strides = array<i32>} : memref<3200xi32, #tpu.memory_space<vmem>>, vector<16xi32>,
        %mul3A_154 = arith.constant 128 : i32
        %mul3A_155 = arith.muli %scan3A_100, %mul3A_154 : i32
        %add3A_156 = arith.constant 80 : i32
        %add3A_157 = arith.addi %mul3A_155, %add3A_156 : i32
        %get3A_158 = arith.index_cast %add3A_157 : i32 to index
        %get3A_159 = tpu.vector_load %arg6[%get3A_158] {strides = array<i32>} : memref<3200xi32, #tpu.memory_space<vmem>>, vector<16xi32>,
        %get3A_160 = arith.index_cast %add3A_157 : i32 to index
        %get3A_161 = tpu.vector_load %arg8[%get3A_160] {strides = array<i32>} : memref<3200xi32, #tpu.memory_space<vmem>>, vector<16xi32>,
        %max3A_162 = arith.maxsi %get3A_159, %get3A_161 : vector<16xi32>
        %swap3A_163 = arith.index_cast %add3A_157 : i32 to index
        %swap3A_164 = tpu.vector_load %arg6[%swap3A_163] {strides = array<i32>} : memref<3200xi32, #tpu.memory_space<vmem>>, vector<16xi32>,
        tpu.vector_store %arg6[%swap3A_163], %max3A_162 {strides = array<i32>} : memref<3200xi32, #tpu.memory_space<vmem>>, vector<16xi32>,
        %mul3A_165 = arith.constant 128 : i32
        %mul3A_166 = arith.muli %scan3A_100, %mul3A_165 : i32
        %add3A_167 = arith.constant 96 : i32
        %add3A_168 = arith.addi %mul3A_166, %add3A_167 : i32
        %get3A_169 = arith.index_cast %add3A_168 : i32 to index
        %get3A_170 = tpu.vector_load %arg6[%get3A_169] {strides = array<i32>} : memref<3200xi32, #tpu.memory_space<vmem>>, vector<16xi32>,
        %get3A_171 = arith.index_cast %add3A_168 : i32 to index
        %get3A_172 = tpu.vector_load %arg8[%get3A_171] {strides = array<i32>} : memref<3200xi32, #tpu.memory_space<vmem>>, vector<16xi32>,
        %max3A_173 = arith.maxsi %get3A_170, %get3A_172 : vector<16xi32>
        %swap3A_174 = arith.index_cast %add3A_168 : i32 to index
        %swap3A_175 = tpu.vector_load %arg6[%swap3A_174] {strides = array<i32>} : memref<3200xi32, #tpu.memory_space<vmem>>, vector<16xi32>,
        tpu.vector_store %arg6[%swap3A_174], %max3A_173 {strides = array<i32>} : memref<3200xi32, #tpu.memory_space<vmem>>, vector<16xi32>,
        %mul3A_176 = arith.constant 128 : i32
        %mul3A_177 = arith.muli %scan3A_100, %mul3A_176 : i32
        %add3A_178 = arith.constant 112 : i32
        %add3A_179 = arith.addi %mul3A_177, %add3A_178 : i32
        %get3A_180 = arith.index_cast %add3A_179 : i32 to index
        %get3A_181 = tpu.vector_load %arg6[%get3A_180] {strides = array<i32>} : memref<3200xi32, #tpu.memory_space<vmem>>, vector<16xi32>,
        %get3A_182 = arith.index_cast %add3A_179 : i32 to index
        %get3A_183 = tpu.vector_load %arg8[%get3A_182] {strides = array<i32>} : memref<3200xi32, #tpu.memory_space<vmem>>, vector<16xi32>,
        %max3A_184 = arith.maxsi %get3A_181, %get3A_183 : vector<16xi32>
        %swap3A_185 = arith.index_cast %add3A_179 : i32 to index
        %swap3A_186 = tpu.vector_load %arg6[%swap3A_185] {strides = array<i32>} : memref<3200xi32, #tpu.memory_space<vmem>>, vector<16xi32>,
        tpu.vector_store %arg6[%swap3A_185], %max3A_184 {strides = array<i32>} : memref<3200xi32, #tpu.memory_space<vmem>>, vector<16xi32>,
        %scan3A_187 = arith.constant 0 : i32
        scf.yield %scan3A_187 : i32
      }
      %scan3A_98 = arith.constant 25 : i32
      %scan3A_99 = arith.constant 0 : i32
      scf.yield %scan3A_99 : i32
    }
    %scan3A_12 = arith.constant 15 : i32
    %dma_wait3A = arith.constant 31 : i32
    %dma_wait3A_13 = tpu.memref_slice %arg2[%dma_wait3A, %multiple_of3A] : memref<32x102400xi32, #tpu.memory_space<hbm>> -> memref<1x3200xi32, #tpu.memory_space<hbm>>
    %dma_wait3A_14 = tpu.memref_squeeze %dma_wait3A_13 : memref<1x3200xi32, #tpu.memory_space<hbm>> -> memref<3200xi32, #tpu.memory_space<hbm>>
    %dma_wait3A_15 = tpu.memref_slice %arg2[%dma_wait3A, %multiple_of3A] : memref<32x102400xi32, #tpu.memory_space<hbm>> -> memref<1x3200xi32, #tpu.memory_space<hbm>>
    %dma_wait3A_16 = tpu.memref_squeeze %dma_wait3A_15 : memref<1x3200xi32, #tpu.memory_space<hbm>> -> memref<3200xi32, #tpu.memory_space<hbm>>
    tpu.wait_dma2 semaphore(%arg12 : memref<!tpu.dma_semaphore, #tpu.memory_space<semaphore_mem>>) src(%dma_wait3A_16 : memref<3200xi32, #tpu.memory_space<hbm>>) dst(%arg7 : memref<3200xi32, #tpu.memory_space<vmem>>)
    %scan3A_17 = arith.constant 0 : i32
    %scan3A_18 = arith.constant 0 : i32
    %scan3A_19 = arith.constant 25 : i32
    %scan3A_20 = arith.addi %scan3A_18, %scan3A_19 : i32
    %scan3A_21 = arith.constant 1 : i32
    %scan3A_22 = scf.for %scan3A_59 = %scan3A_18 to %scan3A_20 step %scan3A_21 iter_args(%scan3A_60 = %scan3A_17) -> (i32)  : i32 {
      %mul3A_61 = arith.constant 128 : i32
      %mul3A_62 = arith.muli %scan3A_59, %mul3A_61 : i32
      %add3A_63 = arith.constant 0 : i32
      %add3A_64 = arith.addi %mul3A_62, %add3A_63 : i32
      %get3A = arith.index_cast %add3A_64 : i32 to index
      %get3A_65 = tpu.vector_load %arg6[%get3A] {strides = array<i32>} : memref<3200xi32, #tpu.memory_space<vmem>>, vector<16xi32>,
      %get3A_66 = arith.index_cast %add3A_64 : i32 to index
      %get3A_67 = tpu.vector_load %arg7[%get3A_66] {strides = array<i32>} : memref<3200xi32, #tpu.memory_space<vmem>>, vector<16xi32>,
      %max3A = arith.maxsi %get3A_65, %get3A_67 : vector<16xi32>
      %swap3A = arith.index_cast %add3A_64 : i32 to index
      %swap3A_68 = tpu.vector_load %arg6[%swap3A] {strides = array<i32>} : memref<3200xi32, #tpu.memory_space<vmem>>, vector<16xi32>,
      tpu.vector_store %arg6[%swap3A], %max3A {strides = array<i32>} : memref<3200xi32, #tpu.memory_space<vmem>>, vector<16xi32>,
      %mul3A_69 = arith.constant 128 : i32
      %mul3A_70 = arith.muli %scan3A_59, %mul3A_69 : i32
      %add3A_71 = arith.constant 16 : i32
      %add3A_72 = arith.addi %mul3A_70, %add3A_71 : i32
      %get3A_73 = arith.index_cast %add3A_72 : i32 to index
      %get3A_74 = tpu.vector_load %arg6[%get3A_73] {strides = array<i32>} : memref<3200xi32, #tpu.memory_space<vmem>>, vector<16xi32>,
      %get3A_75 = arith.index_cast %add3A_72 : i32 to index
      %get3A_76 = tpu.vector_load %arg7[%get3A_75] {strides = array<i32>} : memref<3200xi32, #tpu.memory_space<vmem>>, vector<16xi32>,
      %max3A_77 = arith.maxsi %get3A_74, %get3A_76 : vector<16xi32>
      %swap3A_78 = arith.index_cast %add3A_72 : i32 to index
      %swap3A_79 = tpu.vector_load %arg6[%swap3A_78] {strides = array<i32>} : memref<3200xi32, #tpu.memory_space<vmem>>, vector<16xi32>,
      tpu.vector_store %arg6[%swap3A_78], %max3A_77 {strides = array<i32>} : memref<3200xi32, #tpu.memory_space<vmem>>, vector<16xi32>,
      %mul3A_80 = arith.constant 128 : i32
      %mul3A_81 = arith.muli %scan3A_59, %mul3A_80 : i32
      %add3A_82 = arith.constant 32 : i32
      %add3A_83 = arith.addi %mul3A_81, %add3A_82 : i32
      %get3A_84 = arith.index_cast %add3A_83 : i32 to index
      %get3A_85 = tpu.vector_load %arg6[%get3A_84] {strides = array<i32>} : memref<3200xi32, #tpu.memory_space<vmem>>, vector<16xi32>,
      %get3A_86 = arith.index_cast %add3A_83 : i32 to index
      %get3A_87 = tpu.vector_load %arg7[%get3A_86] {strides = array<i32>} : memref<3200xi32, #tpu.memory_space<vmem>>, vector<16xi32>,
      %max3A_88 = arith.maxsi %get3A_85, %get3A_87 : vector<16xi32>
      %swap3A_89 = arith.index_cast %add3A_83 : i32 to index
      %swap3A_90 = tpu.vector_load %arg6[%swap3A_89] {strides = array<i32>} : memref<3200xi32, #tpu.memory_space<vmem>>, vector<16xi32>,
      tpu.vector_store %arg6[%swap3A_89], %max3A_88 {strides = array<i32>} : memref<3200xi32, #tpu.memory_space<vmem>>, vector<16xi32>,
      %mul3A_91 = arith.constant 128 : i32
      %mul3A_92 = arith.muli %scan3A_59, %mul3A_91 : i32
      %add3A_93 = arith.constant 48 : i32
      %add3A_94 = arith.addi %mul3A_92, %add3A_93 : i32
      %get3A_95 = arith.index_cast %add3A_94 : i32 to index
      %get3A_96 = tpu.vector_load %arg6[%get3A_95] {strides = array<i32>} : memref<3200xi32, #tpu.memory_space<vmem>>, vector<16xi32>,
      %get3A_97 = arith.index_cast %add3A_94 : i32 to index
      %get3A_98 = tpu.vector_load %arg7[%get3A_97] {strides = array<i32>} : memref<3200xi32, #tpu.memory_space<vmem>>, vector<16xi32>,
      %max3A_99 = arith.maxsi %get3A_96, %get3A_98 : vector<16xi32>
      %swap3A_100 = arith.index_cast %add3A_94 : i32 to index
      %swap3A_101 = tpu.vector_load %arg6[%swap3A_100] {strides = array<i32>} : memref<3200xi32, #tpu.memory_space<vmem>>, vector<16xi32>,
      tpu.vector_store %arg6[%swap3A_100], %max3A_99 {strides = array<i32>} : memref<3200xi32, #tpu.memory_space<vmem>>, vector<16xi32>,
      %mul3A_102 = arith.constant 128 : i32
      %mul3A_103 = arith.muli %scan3A_59, %mul3A_102 : i32
      %add3A_104 = arith.constant 64 : i32
      %add3A_105 = arith.addi %mul3A_103, %add3A_104 : i32
      %get3A_106 = arith.index_cast %add3A_105 : i32 to index
      %get3A_107 = tpu.vector_load %arg6[%get3A_106] {strides = array<i32>} : memref<3200xi32, #tpu.memory_space<vmem>>, vector<16xi32>,
      %get3A_108 = arith.index_cast %add3A_105 : i32 to index
      %get3A_109 = tpu.vector_load %arg7[%get3A_108] {strides = array<i32>} : memref<3200xi32, #tpu.memory_space<vmem>>, vector<16xi32>,
      %max3A_110 = arith.maxsi %get3A_107, %get3A_109 : vector<16xi32>
      %swap3A_111 = arith.index_cast %add3A_105 : i32 to index
      %swap3A_112 = tpu.vector_load %arg6[%swap3A_111] {strides = array<i32>} : memref<3200xi32, #tpu.memory_space<vmem>>, vector<16xi32>,
      tpu.vector_store %arg6[%swap3A_111], %max3A_110 {strides = array<i32>} : memref<3200xi32, #tpu.memory_space<vmem>>, vector<16xi32>,
      %mul3A_113 = arith.constant 128 : i32
      %mul3A_114 = arith.muli %scan3A_59, %mul3A_113 : i32
      %add3A_115 = arith.constant 80 : i32
      %add3A_116 = arith.addi %mul3A_114, %add3A_115 : i32
      %get3A_117 = arith.index_cast %add3A_116 : i32 to index
      %get3A_118 = tpu.vector_load %arg6[%get3A_117] {strides = array<i32>} : memref<3200xi32, #tpu.memory_space<vmem>>, vector<16xi32>,
      %get3A_119 = arith.index_cast %add3A_116 : i32 to index
      %get3A_120 = tpu.vector_load %arg7[%get3A_119] {strides = array<i32>} : memref<3200xi32, #tpu.memory_space<vmem>>, vector<16xi32>,
      %max3A_121 = arith.maxsi %get3A_118, %get3A_120 : vector<16xi32>
      %swap3A_122 = arith.index_cast %add3A_116 : i32 to index
      %swap3A_123 = tpu.vector_load %arg6[%swap3A_122] {strides = array<i32>} : memref<3200xi32, #tpu.memory_space<vmem>>, vector<16xi32>,
      tpu.vector_store %arg6[%swap3A_122], %max3A_121 {strides = array<i32>} : memref<3200xi32, #tpu.memory_space<vmem>>, vector<16xi32>,
      %mul3A_124 = arith.constant 128 : i32
      %mul3A_125 = arith.muli %scan3A_59, %mul3A_124 : i32
      %add3A_126 = arith.constant 96 : i32
      %add3A_127 = arith.addi %mul3A_125, %add3A_126 : i32
      %get3A_128 = arith.index_cast %add3A_127 : i32 to index
      %get3A_129 = tpu.vector_load %arg6[%get3A_128] {strides = array<i32>} : memref<3200xi32, #tpu.memory_space<vmem>>, vector<16xi32>,
      %get3A_130 = arith.index_cast %add3A_127 : i32 to index
      %get3A_131 = tpu.vector_load %arg7[%get3A_130] {strides = array<i32>} : memref<3200xi32, #tpu.memory_space<vmem>>, vector<16xi32>,
      %max3A_132 = arith.maxsi %get3A_129, %get3A_131 : vector<16xi32>
      %swap3A_133 = arith.index_cast %add3A_127 : i32 to index
      %swap3A_134 = tpu.vector_load %arg6[%swap3A_133] {strides = array<i32>} : memref<3200xi32, #tpu.memory_space<vmem>>, vector<16xi32>,
      tpu.vector_store %arg6[%swap3A_133], %max3A_132 {strides = array<i32>} : memref<3200xi32, #tpu.memory_space<vmem>>, vector<16xi32>,
      %mul3A_135 = arith.constant 128 : i32
      %mul3A_136 = arith.muli %scan3A_59, %mul3A_135 : i32
      %add3A_137 = arith.constant 112 : i32
      %add3A_138 = arith.addi %mul3A_136, %add3A_137 : i32
      %get3A_139 = arith.index_cast %add3A_138 : i32 to index
      %get3A_140 = tpu.vector_load %arg6[%get3A_139] {strides = array<i32>} : memref<3200xi32, #tpu.memory_space<vmem>>, vector<16xi32>,
      %get3A_141 = arith.index_cast %add3A_138 : i32 to index
      %get3A_142 = tpu.vector_load %arg7[%get3A_141] {strides = array<i32>} : memref<3200xi32, #tpu.memory_space<vmem>>, vector<16xi32>,
      %max3A_143 = arith.maxsi %get3A_140, %get3A_142 : vector<16xi32>
      %swap3A_144 = arith.index_cast %add3A_138 : i32 to index
      %swap3A_145 = tpu.vector_load %arg6[%swap3A_144] {strides = array<i32>} : memref<3200xi32, #tpu.memory_space<vmem>>, vector<16xi32>,
      tpu.vector_store %arg6[%swap3A_144], %max3A_143 {strides = array<i32>} : memref<3200xi32, #tpu.memory_space<vmem>>, vector<16xi32>,
      %scan3A_146 = arith.constant 0 : i32
      scf.yield %scan3A_146 : i32
    }
    %scan3A_23 = arith.constant 25 : i32
    %scan3A_24 = arith.constant 0 : i32
    %scan3A_25 = arith.constant 0 : i32
    %scan3A_26 = arith.constant 25 : i32
    %scan3A_27 = arith.addi %scan3A_25, %scan3A_26 : i32
    %scan3A_28 = arith.constant 1 : i32
    %scan3A_29 = scf.for %scan3A_59 = %scan3A_25 to %scan3A_27 step %scan3A_28 iter_args(%scan3A_60 = %scan3A_24) -> (i32)  : i32 {
      %scan3A_61 = arith.constant 0 : i32
      %scan3A_62 = arith.constant 0 : i32
      %scan3A_63 = arith.constant 8 : i32
      %scan3A_64 = arith.addi %scan3A_62, %scan3A_63 : i32
      %scan3A_65 = arith.constant 1 : i32
      %scan3A_66 = scf.for %scan3A_69 = %scan3A_62 to %scan3A_64 step %scan3A_65 iter_args(%scan3A_70 = %scan3A_61) -> (i32)  : i32 {
        %mul3A_71 = arith.constant 8 : i32
        %mul3A_72 = arith.muli %scan3A_59, %mul3A_71 : i32
        %add3A_73 = arith.addi %mul3A_72, %scan3A_69 : i32
        %mul3A_74 = arith.constant 16 : i32
        %mul3A_75 = arith.muli %add3A_73, %mul3A_74 : i32
        %get3A = arith.index_cast %mul3A_75 : i32 to index
        %get3A_76 = tpu.vector_load %arg6[%get3A] {strides = array<i32>} : memref<3200xi32, #tpu.memory_space<vmem>>, vector<16xi32>,
        %mul3A_77 = arith.constant 16 : i32
        %mul3A_78 = arith.muli %add3A_73, %mul3A_77 : i32
        %add3A_79 = arith.addi %multiple_of3A, %mul3A_78 : i32
        %iota3A = tpu.iota {dimensions = array<i32: 0>} : vector<16xi32>
        %add3A_80 = vector.broadcast %add3A_79 : i32 to vector<16xi32>
        %add3A_81 = arith.addi %add3A_80, %iota3A : vector<16xi32>
        %ge3A = arith.constant 0 : i32
        %ge3A_82 = vector.broadcast %ge3A : i32 to vector<16xi32>
        %ge3A_83 = arith.cmpi sge, %get3A_76, %ge3A_82 : vector<16xi32>
        %select_n3A = arith.select %ge3A_83, %get3A_76, %add3A_81 : vector<16xi1>, vector<16xi32>
        %mul3A_84 = arith.constant 16 : i32
        %mul3A_85 = arith.muli %scan3A_69, %mul3A_84 : i32
        %swap3A = arith.index_cast %scan3A_59 : i32 to index
        %swap3A_86 = arith.index_cast %mul3A_85 : i32 to index
        %swap3A_87 = tpu.vector_load %arg9[%swap3A, %swap3A_86] {strides = array<i32>} : memref<25x128xi32, #tpu.memory_space<vmem>>, vector<16xi32>,
        tpu.vector_store %arg9[%swap3A, %swap3A_86], %select_n3A {strides = array<i32>} : memref<25x128xi32, #tpu.memory_space<vmem>>, vector<16xi32>,
        %scan3A_88 = arith.constant 0 : i32
        scf.yield %scan3A_88 : i32
      }
      %scan3A_67 = arith.constant 8 : i32
      %scan3A_68 = arith.constant 0 : i32
      scf.yield %scan3A_68 : i32
    }
    %scan3A_30 = arith.constant 25 : i32
    %scan3A_31 = arith.constant 0 : i32
    %scan3A_32 = arith.constant 0 : i32
    %scan3A_33 = arith.constant 25 : i32
    %scan3A_34 = arith.addi %scan3A_32, %scan3A_33 : i32
    %scan3A_35 = arith.constant 1 : i32
    %scan3A_36 = scf.for %scan3A_59 = %scan3A_32 to %scan3A_34 step %scan3A_35 iter_args(%scan3A_60 = %scan3A_31) -> (i32)  : i32 {
      %dma_start3A_61 = arith.constant 0 : i32
      %dma_start3A_62 = tpu.memref_slice %arg10[%scan3A_59, %dma_start3A_61] : memref<25x128xi32, #tpu.memory_space<vmem>> -> memref<1x128xi32, #tpu.memory_space<vmem>>
      %dma_start3A_63 = tpu.memref_squeeze %dma_start3A_62 : memref<1x128xi32, #tpu.memory_space<vmem>> -> memref<128xi32, #tpu.memory_space<vmem>>
      %dma_start3A_64 = arith.constant 0 : i32
      %dma_start3A_65 = tpu.memref_slice %arg9[%scan3A_59, %dma_start3A_64] : memref<25x128xi32, #tpu.memory_space<vmem>> -> memref<1x128xi32, #tpu.memory_space<vmem>>
      %dma_start3A_66 = tpu.memref_squeeze %dma_start3A_65 : memref<1x128xi32, #tpu.memory_space<vmem>> -> memref<128xi32, #tpu.memory_space<vmem>>
      %dma_start3A_67 = arith.constant 0 : i32
      %dma_start3A_68 = tpu.memref_slice %arg3[%dma_start3A_67] : memref<1600000xi32, #tpu.memory_space<hbm>> -> memref<1600000xi32, #tpu.memory_space<hbm>>
      tpu.enqueue_indirect_dma source(%dma_start3A_68 : memref<1600000xi32, #tpu.memory_space<hbm>>) target(%dma_start3A_63 : memref<128xi32, #tpu.memory_space<vmem>>) offsets(%dma_start3A_66 : memref<128xi32, #tpu.memory_space<vmem>>) semaphore(%arg12 : memref<!tpu.dma_semaphore, #tpu.memory_space<semaphore_mem>>)
      %scan3A_69 = arith.constant 0 : i32
      scf.yield %scan3A_69 : i32
    }
    %scan3A_37 = arith.constant 25 : i32
    %scan3A_38 = arith.constant 0 : i32
    %scan3A_39 = arith.constant 0 : i32
    %scan3A_40 = arith.constant 25 : i32
    %scan3A_41 = arith.addi %scan3A_39, %scan3A_40 : i32
    %scan3A_42 = arith.constant 1 : i32
    %scan3A_43 = scf.for %scan3A_59 = %scan3A_39 to %scan3A_41 step %scan3A_42 iter_args(%scan3A_60 = %scan3A_38) -> (i32)  : i32 {
      %dma_wait3A_61 = arith.constant 0 : i32
      %dma_wait3A_62 = tpu.memref_slice %arg10[%scan3A_59, %dma_wait3A_61] : memref<25x128xi32, #tpu.memory_space<vmem>> -> memref<1x128xi32, #tpu.memory_space<vmem>>
      %dma_wait3A_63 = tpu.memref_squeeze %dma_wait3A_62 : memref<1x128xi32, #tpu.memory_space<vmem>> -> memref<128xi32, #tpu.memory_space<vmem>>
      %dma_wait3A_64 = arith.constant 0 : i32
      %dma_wait3A_65 = tpu.memref_slice %arg9[%scan3A_59, %dma_wait3A_64] : memref<25x128xi32, #tpu.memory_space<vmem>> -> memref<1x128xi32, #tpu.memory_space<vmem>>
      %dma_wait3A_66 = tpu.memref_squeeze %dma_wait3A_65 : memref<1x128xi32, #tpu.memory_space<vmem>> -> memref<128xi32, #tpu.memory_space<vmem>>
      %dma_wait3A_67 = arith.constant 0 : i32
      %dma_wait3A_68 = tpu.memref_slice %arg3[%dma_wait3A_67] : memref<1600000xi32, #tpu.memory_space<hbm>> -> memref<1600000xi32, #tpu.memory_space<hbm>>
      tpu.wait_indirect_dma semaphore(%arg12 : memref<!tpu.dma_semaphore, #tpu.memory_space<semaphore_mem>>) src(%dma_wait3A_68 : memref<1600000xi32, #tpu.memory_space<hbm>>) dst(%dma_wait3A_63 : memref<128xi32, #tpu.memory_space<vmem>>)
      %scan3A_69 = arith.constant 0 : i32
      scf.yield %scan3A_69 : i32
    }
    %scan3A_44 = arith.constant 25 : i32
    %scan3A_45 = arith.constant 0 : i32
    %scan3A_46 = arith.constant 0 : i32
    %scan3A_47 = arith.constant 25 : i32
    %scan3A_48 = arith.addi %scan3A_46, %scan3A_47 : i32
    %scan3A_49 = arith.constant 1 : i32
    %scan3A_50 = scf.for %scan3A_59 = %scan3A_46 to %scan3A_48 step %scan3A_49 iter_args(%scan3A_60 = %scan3A_45) -> (i32)  : i32 {
      %mul3A_61 = arith.constant 128 : i32
      %mul3A_62 = arith.muli %scan3A_59, %mul3A_61 : i32
      %dma_start3A_63 = arith.constant 0 : i32
      %dma_start3A_64 = tpu.memref_slice %arg11[%mul3A_62, %dma_start3A_63] : memref<3200x32xf32, #tpu.memory_space<vmem>> -> memref<128x32xf32, #tpu.memory_space<vmem>>
      %dma_start3A_65 = arith.constant 0 : i32
      %dma_start3A_66 = tpu.memref_slice %arg10[%scan3A_59, %dma_start3A_65] : memref<25x128xi32, #tpu.memory_space<vmem>> -> memref<1x128xi32, #tpu.memory_space<vmem>>
      %dma_start3A_67 = tpu.memref_squeeze %dma_start3A_66 : memref<1x128xi32, #tpu.memory_space<vmem>> -> memref<128xi32, #tpu.memory_space<vmem>>
      %dma_start3A_68 = arith.constant 0 : i32
      %dma_start3A_69 = arith.constant 0 : i32
      %dma_start3A_70 = tpu.memref_slice %arg4[%dma_start3A_68, %dma_start3A_69] : memref<100000x32xf32, #tpu.memory_space<hbm>> -> memref<100000x32xf32, #tpu.memory_space<hbm>>
      tpu.enqueue_indirect_dma source(%dma_start3A_70 : memref<100000x32xf32, #tpu.memory_space<hbm>>) target(%dma_start3A_64 : memref<128x32xf32, #tpu.memory_space<vmem>>) offsets(%dma_start3A_67 : memref<128xi32, #tpu.memory_space<vmem>>) semaphore(%arg12 : memref<!tpu.dma_semaphore, #tpu.memory_space<semaphore_mem>>)
      %scan3A_71 = arith.constant 0 : i32
      scf.yield %scan3A_71 : i32
    }
    %scan3A_51 = arith.constant 25 : i32
    %scan3A_52 = arith.constant 0 : i32
    %scan3A_53 = arith.constant 0 : i32
    %scan3A_54 = arith.constant 25 : i32
    %scan3A_55 = arith.addi %scan3A_53, %scan3A_54 : i32
    %scan3A_56 = arith.constant 1 : i32
    %scan3A_57 = scf.for %scan3A_59 = %scan3A_53 to %scan3A_55 step %scan3A_56 iter_args(%scan3A_60 = %scan3A_52) -> (i32)  : i32 {
      %mul3A_61 = arith.constant 128 : i32
      %mul3A_62 = arith.muli %scan3A_59, %mul3A_61 : i32
      %dma_wait3A_63 = arith.constant 0 : i32
      %dma_wait3A_64 = tpu.memref_slice %arg11[%mul3A_62, %dma_wait3A_63] : memref<3200x32xf32, #tpu.memory_space<vmem>> -> memref<128x32xf32, #tpu.memory_space<vmem>>
      %dma_wait3A_65 = arith.constant 0 : i32
      %dma_wait3A_66 = tpu.memref_slice %arg10[%scan3A_59, %dma_wait3A_65] : memref<25x128xi32, #tpu.memory_space<vmem>> -> memref<1x128xi32, #tpu.memory_space<vmem>>
      %dma_wait3A_67 = tpu.memref_squeeze %dma_wait3A_66 : memref<1x128xi32, #tpu.memory_space<vmem>> -> memref<128xi32, #tpu.memory_space<vmem>>
      %dma_wait3A_68 = arith.constant 0 : i32
      %dma_wait3A_69 = arith.constant 0 : i32
      %dma_wait3A_70 = tpu.memref_slice %arg4[%dma_wait3A_68, %dma_wait3A_69] : memref<100000x32xf32, #tpu.memory_space<hbm>> -> memref<100000x32xf32, #tpu.memory_space<hbm>>
      tpu.wait_indirect_dma semaphore(%arg12 : memref<!tpu.dma_semaphore, #tpu.memory_space<semaphore_mem>>) src(%dma_wait3A_70 : memref<100000x32xf32, #tpu.memory_space<hbm>>) dst(%dma_wait3A_64 : memref<128x32xf32, #tpu.memory_space<vmem>>)
      %scan3A_71 = arith.constant 0 : i32
      scf.yield %scan3A_71 : i32
    }
    %scan3A_58 = arith.constant 25 : i32
    "tpu.region"() ({
      %run_scoped3A_59 = tpu.sem_alloc : memref<!tpu.dma_semaphore, #tpu.memory_space<semaphore_mem>>
      %dma_start3A_60 = arith.constant 0 : i32
      %dma_start3A_61 = tpu.memref_slice %arg5[%multiple_of3A, %dma_start3A_60] : memref<102400x32xf32, #tpu.memory_space<hbm>> -> memref<3200x32xf32, #tpu.memory_space<hbm>>
      %dma_start3A_62 = arith.constant 0 : i32
      %dma_start3A_63 = tpu.memref_slice %arg5[%multiple_of3A, %dma_start3A_62] : memref<102400x32xf32, #tpu.memory_space<hbm>> -> memref<3200x32xf32, #tpu.memory_space<hbm>>
      tpu.enqueue_dma source(%arg11 : memref<3200x32xf32, #tpu.memory_space<vmem>>) target(%dma_start3A_63 : memref<3200x32xf32, #tpu.memory_space<hbm>>) target_semaphore(%run_scoped3A_59 : memref<!tpu.dma_semaphore, #tpu.memory_space<semaphore_mem>>)
      %dma_wait3A_64 = arith.constant 0 : i32
      %dma_wait3A_65 = tpu.memref_slice %arg5[%multiple_of3A, %dma_wait3A_64] : memref<102400x32xf32, #tpu.memory_space<hbm>> -> memref<3200x32xf32, #tpu.memory_space<hbm>>
      %dma_wait3A_66 = arith.constant 0 : i32
      %dma_wait3A_67 = tpu.memref_slice %arg5[%multiple_of3A, %dma_wait3A_66] : memref<102400x32xf32, #tpu.memory_space<hbm>> -> memref<3200x32xf32, #tpu.memory_space<hbm>>
      tpu.wait_dma2 semaphore(%run_scoped3A_59 : memref<!tpu.dma_semaphore, #tpu.memory_space<semaphore_mem>>) src(%arg11 : memref<3200x32xf32, #tpu.memory_space<vmem>>) dst(%dma_wait3A_67 : memref<3200x32xf32, #tpu.memory_space<hbm>>)
      tpu.yield
    }) : () -> ()
    return
  }
}

module attributes {stable_mosaic.version = 14 : i64} {
  func.func @_mlp_body(%arg0: i32, %arg1: memref<4096x32xf32, #tpu.memory_space<vmem>>, %arg2: memref<4096x32xf32, #tpu.memory_space<vmem>>, %arg3: memref<64x64xf32, #tpu.memory_space<vmem>>, %arg4: memref<1x64xf32, #tpu.memory_space<vmem>>, %arg5: memref<512x64xf32, #tpu.memory_space<vmem>>, %arg6: memref<1x512xf32, #tpu.memory_space<vmem>>, %arg7: memref<1x512xf32, #tpu.memory_space<vmem>>, %arg8: memref<1x1xf32, #tpu.memory_space<smem>>, %arg9: memref<4096xf32, #tpu.memory_space<vmem>>) attributes {dimension_semantics = [#tpu.dimension_semantics<arbitrary>], iteration_bounds = array<i64: 25>, scalar_prefetch = 0 : i64, scratch_operands = 0 : i64, tpu.core_type = #tpu.core_type<tc>, window_params = [{transform_indices = @transform_0, window_bounds = array<i64: 4096, 32>}, {transform_indices = @transform_1, window_bounds = array<i64: 4096, 32>}, {pipeline_mode = #tpu.pipeline_mode<synchronous>, transform_indices = @transform_2, window_bounds = array<i64: 64, 64>}, {pipeline_mode = #tpu.pipeline_mode<synchronous>, transform_indices = @transform_3, window_bounds = array<i64: 1, 64>}, {pipeline_mode = #tpu.pipeline_mode<synchronous>, transform_indices = @transform_4, window_bounds = array<i64: 512, 64>}, {pipeline_mode = #tpu.pipeline_mode<synchronous>, transform_indices = @transform_5, window_bounds = array<i64: 1, 512>}, {pipeline_mode = #tpu.pipeline_mode<synchronous>, transform_indices = @transform_6, window_bounds = array<i64: 1, 512>}, {transform_indices = @transform_7, window_bounds = array<i64: 1, 1>}, {transform_indices = @transform_8, window_bounds = array<i64: 4096>}]} {
    %get3A = arith.constant 0 : index
    %get3A_0 = arith.constant 0 : index
    %get3A_1 = vector.load %arg1[%get3A, %get3A_0] : memref<4096x32xf32, #tpu.memory_space<vmem>>, vector<4096x32xf32>
    %get3A_2 = arith.constant 0 : index
    %get3A_3 = arith.constant 0 : index
    %get3A_4 = vector.load %arg2[%get3A_2, %get3A_3] : memref<4096x32xf32, #tpu.memory_space<vmem>>, vector<4096x32xf32>
    %get3A_5 = arith.constant 0 : index
    %get3A_6 = arith.constant 0 : index
    %get3A_7 = vector.load %arg3[%get3A_5, %get3A_6] : memref<64x64xf32, #tpu.memory_space<vmem>>, vector<64x64xf32>
    %slice3A = vector.extract_strided_slice %get3A_7 {offsets = [0, 0], sizes = [64, 32], strides = [1, 1]} : vector<64x64xf32> to vector<64x32xf32>
    %dot_general3A = arith.constant dense<0.000000e+00> : vector<4096x64xf32>
    %dot_general3A_8 = tpu.matmul %get3A_1, %slice3A, %dot_general3A {dimension_numbers = #tpu.dot_dimension_numbers<[1], [1], [0], [0], [0, 0, 1, 0], [], []>, transpose_lhs_hint = false} : vector<4096x32xf32>, vector<64x32xf32>, vector<4096x64xf32> -> vector<4096x64xf32>
    %slice3A_9 = vector.extract_strided_slice %get3A_7 {offsets = [0, 32], sizes = [64, 32], strides = [1, 1]} : vector<64x64xf32> to vector<64x32xf32>
    %dot_general3A_10 = arith.constant dense<0.000000e+00> : vector<4096x64xf32>
    %dot_general3A_11 = tpu.matmul %get3A_4, %slice3A_9, %dot_general3A_10 {dimension_numbers = #tpu.dot_dimension_numbers<[1], [1], [0], [0], [0, 0, 1, 0], [], []>, transpose_lhs_hint = false} : vector<4096x32xf32>, vector<64x32xf32>, vector<4096x64xf32> -> vector<4096x64xf32>
    %add3A = arith.addf %dot_general3A_8, %dot_general3A_11 : vector<4096x64xf32>
    %get3A_12 = arith.constant 0 : index
    %get3A_13 = arith.constant 0 : index
    %get3A_14 = vector.load %arg4[%get3A_12, %get3A_13] : memref<1x64xf32, #tpu.memory_space<vmem>>, vector<1x64xf32>
    %add3A_15 = vector.broadcast %get3A_14 : vector<1x64xf32> to vector<4096x64xf32>
    %add3A_16 = arith.addf %add3A, %add3A_15 : vector<4096x64xf32>
    %get3A_17 = arith.constant 0 : index
    %get3A_18 = arith.constant 0 : index
    %get3A_19 = vector.load %arg5[%get3A_17, %get3A_18] : memref<512x64xf32, #tpu.memory_space<vmem>>, vector<512x64xf32>
    %dot_general3A_20 = arith.constant dense<0.000000e+00> : vector<4096x512xf32>
    %dot_general3A_21 = tpu.matmul %add3A_16, %get3A_19, %dot_general3A_20 {dimension_numbers = #tpu.dot_dimension_numbers<[1], [1], [0], [0], [0, 0, 1, 0], [], []>, transpose_lhs_hint = false} : vector<4096x64xf32>, vector<512x64xf32>, vector<4096x512xf32> -> vector<4096x512xf32>
    %get3A_22 = arith.constant 0 : index
    %get3A_23 = arith.constant 0 : index
    %get3A_24 = vector.load %arg6[%get3A_22, %get3A_23] : memref<1x512xf32, #tpu.memory_space<vmem>>, vector<1x512xf32>
    %add3A_25 = vector.broadcast %get3A_24 : vector<1x512xf32> to vector<4096x512xf32>
    %add3A_26 = arith.addf %dot_general3A_21, %add3A_25 : vector<4096x512xf32>
    %max3A = arith.constant 0.000000e+00 : f32
    %max3A_27 = vector.broadcast %max3A : f32 to vector<4096x512xf32>
    %max3A_28 = arith.maximumf %add3A_26, %max3A_27 : vector<4096x512xf32>
    %get3A_29 = arith.constant 0 : index
    %get3A_30 = arith.constant 0 : index
    %get3A_31 = vector.load %arg7[%get3A_29, %get3A_30] : memref<1x512xf32, #tpu.memory_space<vmem>>, vector<1x512xf32>
    %dot_general3A_32 = arith.constant dense<0.000000e+00> : vector<1x4096xf32>
    %dot_general3A_33 = tpu.matmul %get3A_31, %max3A_28, %dot_general3A_32 {dimension_numbers = #tpu.dot_dimension_numbers<[1], [1], [0], [0], [0, 0, 1, 0], [], []>, transpose_lhs_hint = false} : vector<1x512xf32>, vector<4096x512xf32>, vector<1x4096xf32> -> vector<1x4096xf32>
    %get3A_34 = arith.constant 0 : index
    %get3A_35 = arith.constant 0 : index
    %get3A_36 = memref.load %arg8[%get3A_34, %get3A_35] : memref<1x1xf32, #tpu.memory_space<smem>>
    %add3A_37 = vector.broadcast %get3A_36 : f32 to vector<1x4096xf32>
    %add3A_38 = arith.addf %dot_general3A_33, %add3A_37 : vector<1x4096xf32>
    %logistic3A = arith.negf %add3A_38 : vector<1x4096xf32>
    %logistic3A_39 = math.exp %logistic3A : vector<1x4096xf32>
    %logistic3A_40 = arith.constant 1.000000e+00 : f32
    %logistic3A_41 = vector.broadcast %logistic3A_40 : f32 to vector<1x4096xf32>
    %logistic3A_42 = arith.addf %logistic3A_41, %logistic3A_39 : vector<1x4096xf32>
    %logistic3A_43 = arith.divf %logistic3A_41, %logistic3A_42 : vector<1x4096xf32>
    %reshape3A = vector.shape_cast %logistic3A_43 : vector<1x4096xf32> to vector<4096xf32>
    %swap3A = arith.constant 0 : index
    %swap3A_44 = vector.load %arg9[%swap3A] : memref<4096xf32, #tpu.memory_space<vmem>>, vector<4096xf32>
    tpu.vector_store %arg9[%swap3A], %reshape3A {strides = array<i32>} : memref<4096xf32, #tpu.memory_space<vmem>>, vector<4096xf32>,
    return
  }
  func.func @transform_0(%arg0: i32) -> (i32, i32) {
    %c0_i32 = arith.constant 0 : i32
    %c0_i32_0 = arith.constant 0 : i32
    return %arg0, %c0_i32 : i32, i32
  }
  func.func @transform_1(%arg0: i32) -> (i32, i32) {
    %c0_i32 = arith.constant 0 : i32
    %c0_i32_0 = arith.constant 0 : i32
    return %arg0, %c0_i32 : i32, i32
  }
  func.func @transform_2(%arg0: i32) -> (i32, i32) {
    %c0_i32 = arith.constant 0 : i32
    %c0_i32_0 = arith.constant 0 : i32
    %c0_i32_1 = arith.constant 0 : i32
    return %c0_i32, %c0_i32_0 : i32, i32
  }
  func.func @transform_3(%arg0: i32) -> (i32, i32) {
    %c0_i32 = arith.constant 0 : i32
    %c0_i32_0 = arith.constant 0 : i32
    %c0_i32_1 = arith.constant 0 : i32
    return %c0_i32, %c0_i32_0 : i32, i32
  }
  func.func @transform_4(%arg0: i32) -> (i32, i32) {
    %c0_i32 = arith.constant 0 : i32
    %c0_i32_0 = arith.constant 0 : i32
    %c0_i32_1 = arith.constant 0 : i32
    return %c0_i32, %c0_i32_0 : i32, i32
  }
  func.func @transform_5(%arg0: i32) -> (i32, i32) {
    %c0_i32 = arith.constant 0 : i32
    %c0_i32_0 = arith.constant 0 : i32
    %c0_i32_1 = arith.constant 0 : i32
    return %c0_i32, %c0_i32_0 : i32, i32
  }
  func.func @transform_6(%arg0: i32) -> (i32, i32) {
    %c0_i32 = arith.constant 0 : i32
    %c0_i32_0 = arith.constant 0 : i32
    %c0_i32_1 = arith.constant 0 : i32
    return %c0_i32, %c0_i32_0 : i32, i32
  }
  func.func @transform_7(%arg0: i32) -> (i32, i32) {
    %c0_i32 = arith.constant 0 : i32
    %c0_i32_0 = arith.constant 0 : i32
    %c0_i32_1 = arith.constant 0 : i32
    return %c0_i32, %c0_i32_0 : i32, i32
  }
  func.func @transform_8(%arg0: i32) -> i32 {
    %c0_i32 = arith.constant 0 : i32
    return %arg0 : i32
  }
}

</mosaic_0001>

<sc_bundles>
// kernel: kernel.5.cloned.1.call-start
scs
__scs_entry_jumppad:
0x0: {  	(pc) =	sbr.rel $0x88, $3  }
0x1: {  	(tag) =	ssettag $0x0;
	lr =	simm.s32 $0x1  }
0x2: {  	[smem:$0x3F97] =	sst lr;
	_ =	strace $0xD0000000  }
0x3: {  	_ = 	snop  }
0x4: {  	_ = 	snop  }
0x5: {  	_ = 	snop  }
0x6: {  	_ = 	snop  }
0x7: {  	_ = 	snop  }
__scs_overlays_trampoline_lowered:
0x8: {  	[smem:$0x3FA6] =	sst s0  }
0x9: {  	[smem:$0x3FA7] =	sst s1  }
0xa: {  	[smem:$0x3FA8] =	sst s2  }
0xb: {  	[smem:$0x3FA9] =	sst s3  }
0xc: {  	[smem:$0x3FAA] =	sst s4  }
0xd: {  	[smem:$0x3FAB] =	sst s5  }
0xe: {  	[smem:$0x3FAC] =	sst s6  }
0xf: {  	[smem:$0x3FAD] =	sst s7  }
0x10: {  	[smem:$0x3FAE] =	sst s8  }
0x11: {  	[smem:$0x3FAF] =	sst s9;
	s0 =	simm.s32 @!p0 $0x0  }
0x12: {  	s1 =	sld [smem:$0x3F95];
	s0 =	simm.s32 @p0 $0x1  }
0x13: {  	[smem:$0x3FB0] =	sst s0;
	s0 =	simm.s32 @!p1 $0x0  }
0x14: {  	s2 =	sld [smem:$0x3F94];
	s0 =	simm.s32 @p1 $0x1  }
0x15: {  	[smem:$0x3FB1] =	sst s0;
	s0 =	simm.s32 @!p2 $0x0  }
0x16: {  	s3 =	sld [smem:$0x3FDB];
	s0 =	simm.s32 @p2 $0x1  }
0x17: {  	s4 =	simm.s32 $0x1BF5;
	[smem:$0x3FB3] =	sst s0  }
0x18: {  	s0 =	sld [smem:$0x3F96];
	_ =	swait.ge [sflag:s4], $0x0  }
0x19: {  	s7 =	sld [smem:$0x3F97]  }
0x1a: {  	s8 =	sadd.s32 $0xFFFFE003, lr  }
0x1b: {  	s9 =	sadd.s32 $0xFFFFFEF7, lr;
	s5 =	simm.s32 $0xFFFFFFFF;
	p2 =	slt.u32 s8, $0xFFFFF086  }
0x1c: {  	p1 =	slt.u32 s9, $0xF7A;
	s5 =	simm.s32 @!p2 $0x0  }
0x1d: {  	s5 =	simm.s32 @p1 $0x1;
	p0 =	seq.s32 s7, s2  }
0x1e: {  	s7 =	smul.u32 @!p0 $0xF7A, s2;
	p2 =	seq.s32 @!p0 s5, $0x0  }
0x1f: {  	s9 =	smul.u32 $0xF7A, s1;
	s8 =	simm.s32 @!p0 $0x1BF5;
	p2 =	por !p2, p0  }
0x20: {  	[sflag:s8] =	ssyncset.s32 @!p0 $0xFFFFF086;
	s6 =	sadd.s32 @!p0 s3, s7;
	s7 =	simm.s32 @!p0 $0x108  }
0x21: {  	s3 =	sadd.s32 s3, s9;
	s6 =	sadd.s32 @!p0 $0x88, s6;
	s7 =	simm.s32 @p2 $0x1082  }
0x22: {  	[simem:s7], [sflag:s8] =	dma.local @!p0 [hbm:s6], $0xF7A  }
0x23: {  	s9 =	sor.u32 $0xD0000000, s2;
	s6 =	simm.s32 $0x108;
	_ =	swait.ge @!p0 [sflag:s8], $0x0  }
0x24: {  	s3 =	sadd.s32 $0x88, s3;
	s6 =	simm.s32 @!p1 $0x1082;
	[sflag:s4] =	ssyncset.s32 $0xFFFFF086  }
0x25: {  	[simem:s6], [sflag:s4] =	dma.local [hbm:s3], $0xF7A  }
0x26: {  	[smem:$0x3F97] =	sst s1;
	(tag) =	ssettag s2;
	_ =	strace s9  }
0x27: {  	s1 =	sld [smem:$0x3FA7]  }
0x28: {  	s2 =	sld [smem:$0x3FA8]  }
0x29: {  	s4 =	sld [smem:$0x3FAA]  }
0x2a: {  	p0 =	seq.s32 s5, $0x0;
	s5 =	sld [smem:$0x3FAB]  }
0x2b: {  	s6 =	sld [smem:$0x3FAC]  }
0x2c: {  	s7 =	sld [smem:$0x3FAD]  }
0x2d: {  	s3 =	simm.s32 $0x108;
	s8 =	sld [smem:$0x3FAE]  }
0x2e: {  	s3 =	simm.s32 @!p0 $0x1082;
	s9 =	sld [smem:$0x3FAF]  }
0x2f: {  	lr =	sadd.s32 s0, s3;
	s0 =	sld [smem:$0x3FA6]  }
0x30: {  	s3 =	sld [smem:$0x3FA9]  }
0x31: {  	[smem:$0x3FB2] =	sst s10  }
0x32: {  	s10 =	sld [smem:$0x3FB0];
	_ =	sdelay $0x3  }
0x33: {  	p0 =	seq.s32 s10, $0x1;
	s10 =	sld [smem:$0x3FB2];
	_ =	sdelay $0x3  }
0x34: {  	[smem:$0x3FB2] =	sst s10  }
0x35: {  	s10 =	sld [smem:$0x3FB1];
	_ =	sdelay $0x3  }
0x36: {  	p1 =	seq.s32 s10, $0x1;
	s10 =	sld [smem:$0x3FB2];
	_ =	sdelay $0x3  }
0x37: {  	[smem:$0x3FB2] =	sst s10  }
0x38: {  	s10 =	sld [smem:$0x3FB3]  }
0x39: {  	_ = 	snop;
	(pc) =	sbr.ind lr, $3  }
0x3a: {  	_ = 	snop  }
0x3b: {  	_ = 	snop  }
0x3c: {  	p2 =	seq.s32 s10, $0x1;
	s10 =	sld [smem:$0x3FB2]  }
0x3d: {  	_ =	shalt  }
0x3e: {  	_ =	shalt  }
0x3f: {  	_ =	shalt  }
0x40: {  	_ =	shalt  }
0x41: {  	_ =	shalt  }
0x42: {  	_ =	shalt  }
0x43: {  	_ =	shalt  }
0x44: {  	_ =	shalt  }
0x45: {  	_ =	shalt  }
0x46: {  	_ =	shalt  }
0x47: {  	_ =	shalt  }
0x48: {  	_ =	shalt  }
0x49: {  	_ =	shalt  }
0x4a: {  	_ =	shalt  }
0x4b: {  	_ =	shalt  }
0x4c: {  	_ =	shalt  }
0x4d: {  	_ =	shalt  }
0x4e: {  	_ =	shalt  }
0x4f: {  	_ =	shalt  }
0x50: {  	_ =	shalt  }
0x51: {  	_ =	shalt  }
0x52: {  	_ =	shalt  }
0x53: {  	_ =	shalt  }
0x54: {  	_ =	shalt  }
0x55: {  	_ =	shalt  }
0x56: {  	_ =	shalt  }
0x57: {  	_ =	shalt  }
0x58: {  	_ =	shalt  }
0x59: {  	_ =	shalt  }
0x5a: {  	_ =	shalt  }
0x5b: {  	_ =	shalt  }
0x5c: {  	_ =	shalt  }
0x5d: {  	_ =	shalt  }
0x5e: {  	_ =	shalt  }
0x5f: {  	_ =	shalt  }
0x60: {  	_ =	shalt  }
0x61: {  	_ =	shalt  }
0x62: {  	_ =	shalt  }
0x63: {  	_ =	shalt  }
0x64: {  	_ =	shalt  }
0x65: {  	_ =	shalt  }
0x66: {  	_ =	shalt  }
0x67: {  	_ =	shalt  }
0x68: {  	_ =	shalt  }
0x69: {  	_ =	shalt  }
0x6a: {  	_ =	shalt  }
0x6b: {  	_ =	shalt  }
0x6c: {  	_ =	shalt  }
0x6d: {  	_ =	shalt  }
0x6e: {  	_ =	shalt  }
0x6f: {  	_ =	shalt  }
0x70: {  	_ =	shalt  }
0x71: {  	_ =	shalt  }
0x72: {  	_ =	shalt  }
0x73: {  	_ =	shalt  }
0x74: {  	_ =	shalt  }
0x75: {  	_ =	shalt  }
0x76: {  	_ =	shalt  }
0x77: {  	_ =	shalt  }
0x78: {  	_ =	shalt  }
0x79: {  	_ =	shalt  }
0x7a: {  	_ =	shalt  }
0x7b: {  	_ =	shalt  }
0x7c: {  	_ =	shalt  }
0x7d: {  	_ =	shalt  }
0x7e: {  	_ =	shalt  }
0x7f: {  	_ =	shalt  }
0x80: {  	_ =	shalt  }
0x81: {  	_ =	shalt  }
0x82: {  	_ =	shalt  }
0x83: {  	_ =	shalt  }
0x84: {  	_ =	shalt  }
0x85: {  	_ =	shalt  }
0x86: {  	_ =	shalt  }
0x87: {  	_ =	shalt  }
.Lfunc_end0:
.L_simem_size_0:
called_computation_lowered:
.L_overlay_start_0:
0x88: {  	s2 =	sld [smem:$0x3FD9]  }
0x89: {  	s3 =	sld [smem:$0x3FFE];
	_ =	sdelay $0x1  }
0x8a: {  	s1 =	srdreg.scid  }
0x8b: {  	s0 =	sand.u32 $0x1, s1  }
0x8c: {  	s17 =	sshll.u32 s0, $0xA;
	s2 =	sadd.s32 s3, s2  }
0x8d: {  	s2 =	sadd.s32 s2, s17  }
0x8e: {  	[smem:$0x3FBE] =	sst s2  }
0x8f: {  	_ = 	snop  }
0x90: {  	s2 =	sld [smem:$0x3FC0];
	(tm) =	ssettm $0x1  }
0x91: {  	s18 =	sld [smem:$0x3FFB];
	_ =	sdelay $0x3  }
0x92: {  	_ =	strace s18  }
0x93: {  	s3 =	sld [smem:$0x3FFC];
	_ =	sdelay $0x3  }
0x94: {  	_ =	strace s3  }
0x95: {  	s3 =	sld [smem:$0x3FFD];
	_ =	sdelay $0x3  }
0x96: {  	_ =	strace s3  }
0x97: {  	_ =	strace $0x8FFFFFFF  }
0x98: {  	s19 =	sld [smem:$0x3FDB];
	_ =	sdelay $0x1  }
0x99: {  	s4 =	simm.s32 $_scs_section_size  }
0x9a: {  	s5 =	simm.s32 $_size__tile_overlayer_lowered;
	s6 =	simm.s32 $_tile_overlayer_lowered  }
0x9b: {  	s22 =	simm.s32 $0x1BFF;
	s21 =	sshll.u32 s6, $0x1;
	s3 =	sadd.s32 s4, s19  }
0x9c: {  	s7 =	simm.s32 $0x0;
	s20 =	sshll.u32 s5, $0x1;
	s5 =	sadd.s32 s21, s3  }
0x9d: {  	[timem:s7], [sflag:s22] =	dma.local [hbm:s5], s20  }
0x9e: {  	_ =	swait.ge [sflag:s22], s20  }
0x9f: {  	s4 =	ssub.s32 $0x0, s20;
	[sflag:s22] =	ssyncset.done $0x0  }
0xa0: {  	[sflag:s22] =	ssyncadd.s32 s4;
	_ =	sdelay $0x1  }
0xa1: {  	s23 =	simm.s32 $0x1B8B  }
0xa2: {  	_ =	swait.ge [sflag:s23], $0x1  }
0xa3: {  	[sflag:s23] =	ssyncset.done $0x0  }
0xa4: {  	s25 =	simm.s32 $0x1B8E;
	s24 =	sld [smem:$0x3FFE];
	[sflag:s23] =	ssyncadd.s32 $0xFFFFFFFF  }
0xa5: {  	s26 =	simm.s32 $execute0_lowered;
	[smem:$0x3FD2] =	sst s25  }
0xa6: {  	s5 =	sshll.u32 s26, $0x1;
	_ =	strace $0x80000046;
	[dreg:$0x1] =	wrdreg $0xFFFFFFFF  }
0xa7: {  	s28 =	simm.s32 $_size_execute0_lowered;
	s3 =	sadd.s32 s3, s5;
	[dreg:$0x0] =	wrdreg $0x0  }
0xa8: {  	s5 =	sshll.u32 s28, $0x1;
	[dreg:$0x2] =	wrdreg s3  }
0xa9: {  	[dreg:$0x3] =	wrdreg s5  }
0xaa: {  	[dreg:$0x4] =	wrdreg $0xC0  }
0xab: {  	_ =	task [dreg:s7], $0x5FFFF  }
0xac: {  	[dreg:$0x1] =	wrdreg $0xFFFFFFFF  }
0xad: {  	[dreg:$0x0] =	wrdreg $0x60  }
0xae: {  	[dreg:$0x2] =	wrdreg s2  }
0xaf: {  	[dreg:$0x3] =	wrdreg s24  }
0xb0: {  	[dreg:$0x4] =	wrdreg $0x9  }
0xb1: {  	_ =	task.clear_ibuf [dreg:s7], $0x5FFFF;
	_ =	strace $0x90000046  }
0xb2: {  	s29 =	simm.s32 $0x9;
	_ =	strace $0x80000048  }
0xb3: {  	_ =	swait.ge [sflag:s29], $0x1  }
0xb4: {  	[sflag:s29] =	ssyncadd.s32 $0xFFFFFFFF  }
0xb5: {  	_ =	strace $0x90000048  }
0xb6: {  	_ =	sfence  }
0xb7: {  	s30 =	sld [smem:$0x0];
	_ =	sdelay $0x2  }
0xb8: {  	s31 =	sshll.u32 s1, $0xD;
	s1 =	sshrl.u32 s1, $0x2  }
0xb9: {  	s3 =	sand.u32 $0x4000, s31;
	s1 =	sadd.s32 s1, s30  }
0xba: {  	s0 =	sor.u32 s3, s0;
	s1 =	sshll.u32 s1, $0x11  }
0xbb: {  	s0 =	sor.u32 s1, s0  }
0xbc: {  	s0 =	sadd.s32 $0x8F2B, s0  }
0xbd: {  	[sflag:s0] =	ssyncadd.remote.s32 $0x1  }
0xbe: {  	_ =	sfence.sel $0xFFFF  }
0xbf: {  	[dreg:$0x0] =	wrdreg $0xFFFFFFFF;
	(pc) =	sbr.abs _section_cstart, $3  }
0xc0: {  	[dreg:$0x1] =	wrdreg $0xFFFFFFFF  }
0xc1: {  	_ =	task.clear_ibuf [dreg:s7], $0x2FFFF;
	_ =	strace $0x9FFFFFFF  }
0xc2: {  	(tm) =	ssettm $0x7FFFFFFF  }
0xc3: {  	_ =	shalt  }
tec
execute0_lowered:
.L_overlay_start_1:
0x0: {  	(tag) =	ssettag $0x1  }
0x1: {  	s1 =	srdreg.scid;
	s2 =	rddreg [dreg:$0x0]  }
0x2: {  	s0 =	stileid.u32;
	s5 =	rddreg [dreg:$0x1]  }
0x3: {  	s7 =	sand.u32 $0x1, s1;
	s29 =	sshll.u32 s0, $0x1;
	s30 =	smul.u32 $0xFA0, s0  }
0x4: {  	s4 =	simm.s32 $0x0;
	s3 =	sor.u32 s7, s29;
	s31 =	smul.u32 $0x7D0, s7  }
0x5: {  	s14 =	simm.s32 $0x0;
	s1 =	rddreg [dreg:$0x2];
	s6 =	smul.u32 $0x3200, s3  }
0x6: {  	[smem:$0x7FF] =	sst s4;
	s8 =	ssub.s32 $0x2, s7;
	s9 =	smul.u32 $0xFA, s3  }
0x7: {  	_ =	strace $0x80000047;
	s10 =	sshrl.u32 s8, $0x1;
	s11 =	smul.u32 $0x7D0, s3  }
0x8: {  	s8 =	ssub.s32 s8, s10;
	s10 =	simm.s32 $0x19000;
	s12 =	sadd.s32 s6, s5  }
0x9: {  	s5 =	sadd.s32 s2, s9;
	s6 =	sor.u32 $0x40, s3;
	s13 =	sadd.s32 $0x1777C0, s11  }
0xa: {  	v0 =	vlaneseq.u32;
	s8 =	smax.u32 s8, $0x1;
	s9 =	sadd.s32 s31, s30;
	s11 =	simm.s32 $0x197D0  }
0xb: {  	v2 =	vimm.s32 $0xFFFFFFFF;
	s7 =	sadd.s32 $0x2400, s12;
	v1 =	vor.u32 s13, v0;
	s12 =	simm.s32 $0x1;
	s13 =	simm.s32 $0x2  }
.LBB2_1:
0xc: {  	s15 =	simm.s32 $0x0;
	s16 =	simm.s32 $0x200  }
.LBB2_2:
0xd: {  	p0 =	sne.s32 s16, $0x63E00;
	[tilespmem:s15+$0x70] =	vst v2  }
0xe: {  	[tilespmem:s15+$0x0] =	vst v2  }
0xf: {  	[tilespmem:s15+$0x10] =	vst v2  }
.Ltmp0:
0x10: {  	[tilespmem:s15+$0x20] =	vst v2;
	(pc) =	sbr.rel @p0 .LBB2_2-.Ltmp0, $4  }
0x11: {  	[tilespmem:s15+$0x30] =	vst v2  }
0x12: {  	[tilespmem:s15+$0x40] =	vst v2  }
0x13: {  	[tilespmem:s15+$0x50] =	vst v2  }
0x14: {  	[tilespmem:s15+$0x60] =	vst v2;
	s15 =	sshra.s32 s16, $0x2;
	s16 =	sadd.s32 $0x200, s16  }
0x15: {  	[tilespmem:s15+$0x70] =	vst v2  }
0x16: {  	[tilespmem:s15+$0x0] =	vst v2  }
0x17: {  	[tilespmem:s15+$0x10] =	vst v2  }
0x18: {  	[tilespmem:s15+$0x20] =	vst v2  }
0x19: {  	[tilespmem:s15+$0x30] =	vst v2  }
0x1a: {  	[tilespmem:s15+$0x40] =	vst v2  }
0x1b: {  	[tilespmem:s15+$0x50] =	vst v2  }
0x1c: {  	[tilespmem:s15+$0x60] =	vst v2;
	s15 =	simm.s32 $0x0;
	s16 =	smov.u32 s9;
	s17 =	simm.s32 $0x0  }
0x1d: {  	[tilespmem:s10], [sflag:$0x1] =	stream.linear.gather [hbm4b:s5+s15], $0x7D0, $0x38;
	[tilespmem:$0x19FA0] =	vst v63  }
.LBB2_4:
0x1e: {  	s19 =	sshll.u32 s17, $0x6  }
0x1f: {  	s18 =	sor.u32 s19, s3  }
0x20: {  	s18 =	smul.u32 $0x7D0, s18;
	_ =	sdelay $0x1  }
0x21: {  	s20 =	sshrl.u32 s18, $0x3  }
0x22: {  	s20 =	sadd.s32 s2, s20  }
0x23: {  	s20 =	sadd.s32 $0x1F40, s20  }
0x24: {  	[tilespmem:s11], [sflag:$0x1] =	stream.linear.gather [hbm4b:s20+s15], $0x7D0, $0x38;
	[tilespmem:$0x19FA0] =	vst v63  }
0x25: {  	_ =	swait.ge [sflag:s12], $0x7D0  }
0x26: {  	[sflag:s12] =	ssyncset.done $0x0  }
0x27: {  	s21 =	simm.s32 $0x0;
	s20 =	simm.s32 $0x19020;
	[sflag:s12] =	ssyncadd.s32 $0xFFFFF830  }
.LBB2_5:
0x28: {  	v3 =	vld [tilespmem:s20+$0xFFFFFFE0]  }
0x29: {  	v4 =	vld [tilespmem:s20+$0xFFFFFFF0]  }
0x2a: {  	v5 =	vld [tilespmem:s20+$0x0]  }
0x2b: {  	v6 =	vld [tilespmem:s20+$0x10];
	_ =	sdelay $0x4  }
0x2c: {  	v7 =	vld.idx.msk [tilespmem:v3+s4+$0x0], $0xffff  }
0x2d: {  	v8 =	vld.idx.msk [tilespmem:v4+s4+$0x0], $0xffff  }
0x2e: {  	v9 =	vld.idx.msk [tilespmem:v5+s4+$0x0], $0xffff  }
0x2f: {  	s22 =	sadd.s32 s21, s16;
	v10 =	vld.idx.msk [tilespmem:v6+s4+$0x0], $0xffff  }
0x30: {  	v11 =	vor.u32 s22, v0;
	s23 =	sadd.s32 $0x10, s22  }
0x31: {  	s31 =	sadd.s32 $0x20, s22;
	v12 =	vor.u32 s23, v0;
	vm0 =	vgt.s32 v11, v7  }
0x32: {  	s22 =	sadd.s32 $0x30, s22;
	v60 =	vor.u32 s31, v0;
	vm1 =	vgt.s32 v12, v8  }
0x33: {  	v61 =	vor.u32 s22, v0;
	vm2 =	vgt.s32 v60, v9  }
0x34: {  	vm3 =	vgt.s32 v61, v10;
	_ =	sdelay $0x2  }
0x35: {  	[tilespmem:v3+s4+$0x0] =	vst.idx.msk vm0, v11  }
0x36: {  	[tilespmem:v4+s4+$0x0] =	vst.idx.msk vm1, v12  }
0x37: {  	[tilespmem:v5+s4+$0x0] =	vst.idx.msk vm2, v60  }
0x38: {  	[tilespmem:v6+s4+$0x0] =	vst.idx.msk vm3, v61  }
0x39: {  	v62 =	vld.idx.msk [tilespmem:v3+s4+$0x0], $0xffff  }
0x3a: {  	v63 =	vld.idx.msk [tilespmem:v4+s4+$0x0], $0xffff  }
0x3b: {  	v13 =	vld.idx.msk [tilespmem:v5+s4+$0x0], $0xffff  }
0x3c: {  	v14 =	vld.idx.msk [tilespmem:v6+s4+$0x0], $0xffff;
	_ =	sdelay $0x1  }
0x3d: {  	vm12 =	vgt.s32 v11, v62  }
0x3e: {  	vm13 =	vgt.s32 v12, v63  }
0x3f: {  	vm14 =	vgt.s32 v60, v13  }
0x40: {  	vm15 =	vgt.s32 v61, v14  }
0x41: {  	p0 =	sne.s32 s21, $0x780  }
.Ltmp1:
0x42: {  	_ = 	snop;
	(pc) =	sbr.rel @p0 .LBB2_5-.Ltmp1, $4  }
0x43: {  	[tilespmem:v3+s4+$0x0] =	vst.idx.msk vm12, v11  }
0x44: {  	[tilespmem:v4+s4+$0x0] =	vst.idx.msk vm13, v12  }
0x45: {  	[tilespmem:v5+s4+$0x0] =	vst.idx.msk vm14, v60  }
0x46: {  	s20 =	sadd.s32 $0x40, s20;
	s21 =	sadd.s32 $0x40, s21;
	[tilespmem:v6+s4+$0x0] =	vst.idx.msk vm15, v61  }
0x47: {  	v3 =	vld [tilespmem:$0x197C0];
	_ =	sdelay $0x6  }
0x48: {  	s20 =	simm.s32 $0x0  }
0x49: {  	v4 =	vld.idx.msk [tilespmem:v3+s20+$0x0], $0xffff;
	_ =	sdelay $0x2  }
0x4a: {  	s21 =	sadd.s32 $0x7C0, s18  }
0x4b: {  	v5 =	vor.u32 s21, v0  }
0x4c: {  	vm0 =	vgt.s32 v5, v4;
	_ =	sdelay $0x5  }
0x4d: {  	[tilespmem:v3+s20+$0x0] =	vst.idx.msk vm0, v5  }
0x4e: {  	v63 =	vld.idx.msk [tilespmem:v3+s20+$0x0], $0xffff;
	_ =	sdelay $0x4  }
0x4f: {  	vm15 =	vgt.s32 v5, v63;
	_ =	sdelay $0x2  }
0x50: {  	s19 =	sadd.s32 s6, s19  }
0x51: {  	s19 =	smul.u32 $0xFA, s19;
	_ =	sdelay $0x1  }
0x52: {  	s19 =	sadd.s32 s2, s19;
	[tilespmem:v3+s20+$0x0] =	vst.idx.msk vm15, v5  }
0x53: {  	[tilespmem:s10], [sflag:$0x1] =	stream.linear.gather [hbm4b:s19+s20], $0x7D0, $0x38;
	[tilespmem:$0x19FA0] =	vst v63  }
0x54: {  	_ =	swait.ge [sflag:s12], $0x7D0  }
0x55: {  	[sflag:s12] =	ssyncset.done $0x0  }
0x56: {  	s19 =	simm.s32 $0x197F0;
	[sflag:s12] =	ssyncadd.s32 $0xFFFFF830  }
.LBB2_7:
0x57: {  	v3 =	vld [tilespmem:s19+$0xFFFFFFE0]  }
0x58: {  	v4 =	vld [tilespmem:s19+$0xFFFFFFF0]  }
0x59: {  	v5 =	vld [tilespmem:s19+$0x0]  }
0x5a: {  	v6 =	vld [tilespmem:s19+$0x10];
	_ =	sdelay $0x4  }
0x5b: {  	v7 =	vld.idx.msk [tilespmem:v3+s4+$0x0], $0xffff  }
0x5c: {  	v8 =	vld.idx.msk [tilespmem:v4+s4+$0x0], $0xffff  }
0x5d: {  	s21 =	sadd.s32 s20, s16;
	v9 =	vld.idx.msk [tilespmem:v5+s4+$0x0], $0xffff  }
0x5e: {  	s22 =	sadd.s32 $0xFA00, s21;
	v10 =	vld.idx.msk [tilespmem:v6+s4+$0x0], $0xffff  }
0x5f: {  	s30 =	sadd.s32 $0xFA10, s21;
	v11 =	vor.u32 s22, v0  }
0x60: {  	s31 =	sadd.s32 $0xFA20, s21;
	v12 =	vor.u32 s30, v0;
	vm0 =	vgt.s32 v11, v7  }
0x61: {  	s21 =	sadd.s32 $0xFA30, s21;
	v60 =	vor.u32 s31, v0;
	vm1 =	vgt.s32 v12, v8  }
0x62: {  	v61 =	vor.u32 s21, v0;
	vm2 =	vgt.s32 v60, v9  }
0x63: {  	vm3 =	vgt.s32 v61, v10;
	_ =	sdelay $0x2  }
0x64: {  	[tilespmem:v3+s4+$0x0] =	vst.idx.msk vm0, v11  }
0x65: {  	[tilespmem:v4+s4+$0x0] =	vst.idx.msk vm1, v12  }
0x66: {  	[tilespmem:v5+s4+$0x0] =	vst.idx.msk vm2, v60  }
0x67: {  	[tilespmem:v6+s4+$0x0] =	vst.idx.msk vm3, v61  }
0x68: {  	v62 =	vld.idx.msk [tilespmem:v3+s4+$0x0], $0xffff  }
0x69: {  	v63 =	vld.idx.msk [tilespmem:v4+s4+$0x0], $0xffff  }
0x6a: {  	v13 =	vld.idx.msk [tilespmem:v5+s4+$0x0], $0xffff  }
0x6b: {  	v14 =	vld.idx.msk [tilespmem:v6+s4+$0x0], $0xffff;
	_ =	sdelay $0x1  }
0x6c: {  	vm12 =	vgt.s32 v11, v62  }
0x6d: {  	vm13 =	vgt.s32 v12, v63  }
0x6e: {  	vm14 =	vgt.s32 v60, v13  }
0x6f: {  	vm15 =	vgt.s32 v61, v14  }
0x70: {  	p0 =	sne.s32 s20, $0x780  }
.Ltmp2:
0x71: {  	_ = 	snop;
	(pc) =	sbr.rel @p0 .LBB2_7-.Ltmp2, $4  }
0x72: {  	[tilespmem:v3+s4+$0x0] =	vst.idx.msk vm12, v11  }
0x73: {  	[tilespmem:v4+s4+$0x0] =	vst.idx.msk vm13, v12  }
0x74: {  	[tilespmem:v5+s4+$0x0] =	vst.idx.msk vm14, v60  }
0x75: {  	s19 =	sadd.s32 $0x40, s19;
	s20 =	sadd.s32 $0x40, s20;
	[tilespmem:v6+s4+$0x0] =	vst.idx.msk vm15, v61  }
0x76: {  	v3 =	vld [tilespmem:$0x19F90];
	_ =	sdelay $0x7  }
0x77: {  	v4 =	vld.idx.msk [tilespmem:v3+s4+$0x0], $0xffff;
	_ =	sdelay $0x2  }
0x78: {  	s18 =	sadd.s32 $0x101C0, s18  }
0x79: {  	v5 =	vor.u32 s18, v0  }
0x7a: {  	vm0 =	vgt.s32 v5, v4;
	_ =	sdelay $0x5  }
0x7b: {  	[tilespmem:v3+s4+$0x0] =	vst.idx.msk vm0, v5  }
0x7c: {  	v63 =	vld.idx.msk [tilespmem:v3+s4+$0x0], $0xffff;
	_ =	sdelay $0x4  }
0x7d: {  	s17 =	sadd.s32 $0x1, s17;
	vm15 =	vgt.s32 v5, v63  }
0x7e: {  	p0 =	sne.s32 s17, $0xC  }
.Ltmp3:
0x7f: {  	_ = 	snop;
	(pc) =	sbr.rel @p0 .LBB2_4-.Ltmp3, $2  }
0x80: {  	_ =	sdelay $0x2  }
0x81: {  	s16 =	sadd.s32 $0x1F400, s16;
	[tilespmem:v3+s4+$0x0] =	vst.idx.msk vm15, v5  }
0x82: {  	_ =	swait.ge [sflag:s12], $0x7D0  }
0x83: {  	[sflag:s12] =	ssyncset.done $0x0  }
0x84: {  	s15 =	simm.s32 $0x0;
	s16 =	simm.s32 $0x19020;
	[sflag:s12] =	ssyncadd.s32 $0xFFFFF830  }
.LBB2_10:
0x85: {  	v3 =	vld [tilespmem:s16+$0xFFFFFFE0]  }
0x86: {  	v4 =	vld [tilespmem:s16+$0xFFFFFFF0]  }
0x87: {  	v5 =	vld [tilespmem:s16+$0x0]  }
0x88: {  	v6 =	vld [tilespmem:s16+$0x10];
	_ =	sdelay $0x4  }
0x89: {  	v7 =	vld.idx.msk [tilespmem:v3+s4+$0x0], $0xffff  }
0x8a: {  	v8 =	vld.idx.msk [tilespmem:v4+s4+$0x0], $0xffff  }
0x8b: {  	s17 =	sadd.s32 s15, s9;
	v9 =	vld.idx.msk [tilespmem:v5+s4+$0x0], $0xffff  }
0x8c: {  	s18 =	sadd.s32 $0x177000, s17;
	v10 =	vld.idx.msk [tilespmem:v6+s4+$0x0], $0xffff  }
0x8d: {  	s30 =	sadd.s32 $0x177010, s17;
	v11 =	vor.u32 s18, v0  }
0x8e: {  	s31 =	sadd.s32 $0x177020, s17;
	v12 =	vor.u32 s30, v0;
	vm0 =	vgt.s32 v11, v7  }
0x8f: {  	s17 =	sadd.s32 $0x177030, s17;
	v60 =	vor.u32 s31, v0;
	vm1 =	vgt.s32 v12, v8  }
0x90: {  	v61 =	vor.u32 s17, v0;
	vm2 =	vgt.s32 v60, v9  }
0x91: {  	vm3 =	vgt.s32 v61, v10;
	_ =	sdelay $0x2  }
0x92: {  	[tilespmem:v3+s4+$0x0] =	vst.idx.msk vm0, v11  }
0x93: {  	[tilespmem:v4+s4+$0x0] =	vst.idx.msk vm1, v12  }
0x94: {  	[tilespmem:v5+s4+$0x0] =	vst.idx.msk vm2, v60  }
0x95: {  	[tilespmem:v6+s4+$0x0] =	vst.idx.msk vm3, v61  }
0x96: {  	v62 =	vld.idx.msk [tilespmem:v3+s4+$0x0], $0xffff  }
0x97: {  	v63 =	vld.idx.msk [tilespmem:v4+s4+$0x0], $0xffff  }
0x98: {  	v13 =	vld.idx.msk [tilespmem:v5+s4+$0x0], $0xffff  }
0x99: {  	v14 =	vld.idx.msk [tilespmem:v6+s4+$0x0], $0xffff;
	_ =	sdelay $0x1  }
0x9a: {  	vm12 =	vgt.s32 v11, v62  }
0x9b: {  	vm13 =	vgt.s32 v12, v63  }
0x9c: {  	vm14 =	vgt.s32 v60, v13  }
0x9d: {  	vm15 =	vgt.s32 v61, v14  }
0x9e: {  	p0 =	sne.s32 s15, $0x780  }
.Ltmp4:
0x9f: {  	_ = 	snop;
	(pc) =	sbr.rel @p0 .LBB2_10-.Ltmp4, $4  }
0xa0: {  	[tilespmem:v3+s4+$0x0] =	vst.idx.msk vm12, v11  }
0xa1: {  	[tilespmem:v4+s4+$0x0] =	vst.idx.msk vm13, v12  }
0xa2: {  	[tilespmem:v5+s4+$0x0] =	vst.idx.msk vm14, v60  }
0xa3: {  	s16 =	sadd.s32 $0x40, s16;
	s15 =	sadd.s32 $0x40, s15;
	[tilespmem:v6+s4+$0x0] =	vst.idx.msk vm15, v61  }
0xa4: {  	v3 =	vld [tilespmem:$0x197C0];
	_ =	sdelay $0x7  }
0xa5: {  	v4 =	vld.idx.msk [tilespmem:v3+s4+$0x0], $0xffff;
	_ =	sdelay $0x4  }
0xa6: {  	vm0 =	vgt.s32 v1, v4;
	_ =	sdelay $0x5  }
0xa7: {  	[tilespmem:v3+s4+$0x0] =	vst.idx.msk vm0, v1  }
0xa8: {  	v63 =	vld.idx.msk [tilespmem:v3+s4+$0x0], $0xffff;
	_ =	sdelay $0x4  }
0xa9: {  	vm15 =	vgt.s32 v1, v63;
	_ =	sdelay $0x3  }
0xaa: {  	s14 =	sadd.s32 $0x1, s14  }
0xab: {  	p0 =	sne.s32 s14, s8  }
.Ltmp5:
0xac: {  	[tilespmem:v3+s4+$0x0] =	vst.idx.msk vm15, v1;
	(pc) =	sbr.rel @p0 .LBB2_1-.Ltmp5, $4  }
0xad: {  	[hbm4b:s7+s4] =	stream.linear.scatter [tilespmem:s4], [sflag:$0x2], $0x19000, $0x38;
	[tilespmem:$0x19FA0] =	vst v63  }
0xae: {  	_ =	swait.ge [sflag:s13], $0x19000  }
0xaf: {  	[sflag:s13] =	ssyncset.done $0x0  }
0xb0: {  	[sflag:s13] =	ssyncadd.s32 $0xFFFE7000  }
0xb1: {  	_ =	sfence.sel $0x180000  }
0xb2: {  	[bflag:$0x0] =	sbarrier.arrive $0xFFFF  }
0xb3: {  	p0 =	sne.s32 s0, $0x0;
	_ =	strace $0x90000047  }
0xb4: {  	s0 =	sadd.s32 @!p0 $0x100000, s1;
	[bflag:$0x2] =	sbarrier.arrive $0xFFFF  }
0xb5: {  	[sflag:s0] =	ssyncadd.tile.s32 @!p0 $0x1;
	_ =	shalt  }
.Lfunc_end2:
_tile_overlayer_lowered:
.L_overlay_start_2:
0xb6: {  	(tag) =	ssettag $0x2  }
0xb7: {  	s0 =	rddreg [dreg:$0x0];
	s2 =	stileid.u32  }
0xb8: {  	s1 =	rddreg [dreg:$0x1];
	p0 =	sne.s32 s2, $0x0  }
0xb9: {  	s3 =	rddreg [dreg:$0x2];
	[bflag:$0x3] =	sbarrier.arrive $0xFFFF;
	s2 =	simm.s32 @!p0 $0x1C02  }
0xba: {  	[timem:s3], [sflag:s2] =	dma.local @!p0 [hbm:s0], s1  }
0xbb: {  	s0 =	simm.s32 @!p0 $0x2  }
0xbc: {  	_ =	swait.ge @!p0 [sflag:s0], s1  }
0xbd: {  	s1 =	ssub.s32 @!p0 $0x0, s1;
	[sflag:s0] =	ssyncset.done @!p0 $0x0  }
0xbe: {  	[sflag:s0] =	ssyncadd.s32 @!p0 s1  }
0xbf: {  	[bflag:$0x3] =	sbarrier.arrive $0xFFFF  }
0xc0: {  	_ =	shalt  }

// kernel: kernel.8.cloned.1.call-start
scs
__scs_entry_jumppad:
0x0: {  	(pc) =	sbr.rel $0x88, $3  }
0x1: {  	(tag) =	ssettag $0x0;
	lr =	simm.s32 $0x1  }
0x2: {  	[smem:$0x3F97] =	sst lr;
	_ =	strace $0xD0000000  }
0x3: {  	_ = 	snop  }
0x4: {  	_ = 	snop  }
0x5: {  	_ = 	snop  }
0x6: {  	_ = 	snop  }
0x7: {  	_ = 	snop  }
__scs_overlays_trampoline_lowered:
0x8: {  	[smem:$0x3FA6] =	sst s0  }
0x9: {  	[smem:$0x3FA7] =	sst s1  }
0xa: {  	[smem:$0x3FA8] =	sst s2  }
0xb: {  	[smem:$0x3FA9] =	sst s3  }
0xc: {  	[smem:$0x3FAA] =	sst s4  }
0xd: {  	[smem:$0x3FAB] =	sst s5  }
0xe: {  	[smem:$0x3FAC] =	sst s6  }
0xf: {  	[smem:$0x3FAD] =	sst s7  }
0x10: {  	[smem:$0x3FAE] =	sst s8  }
0x11: {  	[smem:$0x3FAF] =	sst s9;
	s0 =	simm.s32 @!p0 $0x0  }
0x12: {  	s1 =	sld [smem:$0x3F95];
	s0 =	simm.s32 @p0 $0x1  }
0x13: {  	[smem:$0x3FB0] =	sst s0;
	s0 =	simm.s32 @!p1 $0x0  }
0x14: {  	s2 =	sld [smem:$0x3F94];
	s0 =	simm.s32 @p1 $0x1  }
0x15: {  	[smem:$0x3FB1] =	sst s0;
	s0 =	simm.s32 @!p2 $0x0  }
0x16: {  	s3 =	sld [smem:$0x3FDB];
	s0 =	simm.s32 @p2 $0x1  }
0x17: {  	s4 =	simm.s32 $0x1BF5;
	[smem:$0x3FB3] =	sst s0  }
0x18: {  	s0 =	sld [smem:$0x3F96];
	_ =	swait.ge [sflag:s4], $0x0  }
0x19: {  	s7 =	sld [smem:$0x3F97]  }
0x1a: {  	s8 =	sadd.s32 $0xFFFFE003, lr  }
0x1b: {  	s9 =	sadd.s32 $0xFFFFFEF7, lr;
	s5 =	simm.s32 $0xFFFFFFFF;
	p2 =	slt.u32 s8, $0xFFFFF086  }
0x1c: {  	p1 =	slt.u32 s9, $0xF7A;
	s5 =	simm.s32 @!p2 $0x0  }
0x1d: {  	s5 =	simm.s32 @p1 $0x1;
	p0 =	seq.s32 s7, s2  }
0x1e: {  	s7 =	smul.u32 @!p0 $0xF7A, s2;
	p2 =	seq.s32 @!p0 s5, $0x0  }
0x1f: {  	s9 =	smul.u32 $0xF7A, s1;
	s8 =	simm.s32 @!p0 $0x1BF5;
	p2 =	por !p2, p0  }
0x20: {  	[sflag:s8] =	ssyncset.s32 @!p0 $0xFFFFF086;
	s6 =	sadd.s32 @!p0 s3, s7;
	s7 =	simm.s32 @!p0 $0x108  }
0x21: {  	s3 =	sadd.s32 s3, s9;
	s6 =	sadd.s32 @!p0 $0x88, s6;
	s7 =	simm.s32 @p2 $0x1082  }
0x22: {  	[simem:s7], [sflag:s8] =	dma.local @!p0 [hbm:s6], $0xF7A  }
0x23: {  	s9 =	sor.u32 $0xD0000000, s2;
	s6 =	simm.s32 $0x108;
	_ =	swait.ge @!p0 [sflag:s8], $0x0  }
0x24: {  	s3 =	sadd.s32 $0x88, s3;
	s6 =	simm.s32 @!p1 $0x1082;
	[sflag:s4] =	ssyncset.s32 $0xFFFFF086  }
0x25: {  	[simem:s6], [sflag:s4] =	dma.local [hbm:s3], $0xF7A  }
0x26: {  	[smem:$0x3F97] =	sst s1;
	(tag) =	ssettag s2;
	_ =	strace s9  }
0x27: {  	s1 =	sld [smem:$0x3FA7]  }
0x28: {  	s2 =	sld [smem:$0x3FA8]  }
0x29: {  	s4 =	sld [smem:$0x3FAA]  }
0x2a: {  	p0 =	seq.s32 s5, $0x0;
	s5 =	sld [smem:$0x3FAB]  }
0x2b: {  	s6 =	sld [smem:$0x3FAC]  }
0x2c: {  	s7 =	sld [smem:$0x3FAD]  }
0x2d: {  	s3 =	simm.s32 $0x108;
	s8 =	sld [smem:$0x3FAE]  }
0x2e: {  	s3 =	simm.s32 @!p0 $0x1082;
	s9 =	sld [smem:$0x3FAF]  }
0x2f: {  	lr =	sadd.s32 s0, s3;
	s0 =	sld [smem:$0x3FA6]  }
0x30: {  	s3 =	sld [smem:$0x3FA9]  }
0x31: {  	[smem:$0x3FB2] =	sst s10  }
0x32: {  	s10 =	sld [smem:$0x3FB0];
	_ =	sdelay $0x3  }
0x33: {  	p0 =	seq.s32 s10, $0x1;
	s10 =	sld [smem:$0x3FB2];
	_ =	sdelay $0x3  }
0x34: {  	[smem:$0x3FB2] =	sst s10  }
0x35: {  	s10 =	sld [smem:$0x3FB1];
	_ =	sdelay $0x3  }
0x36: {  	p1 =	seq.s32 s10, $0x1;
	s10 =	sld [smem:$0x3FB2];
	_ =	sdelay $0x3  }
0x37: {  	[smem:$0x3FB2] =	sst s10  }
0x38: {  	s10 =	sld [smem:$0x3FB3]  }
0x39: {  	_ = 	snop;
	(pc) =	sbr.ind lr, $3  }
0x3a: {  	_ = 	snop  }
0x3b: {  	_ = 	snop  }
0x3c: {  	p2 =	seq.s32 s10, $0x1;
	s10 =	sld [smem:$0x3FB2]  }
0x3d: {  	_ =	shalt  }
0x3e: {  	_ =	shalt  }
0x3f: {  	_ =	shalt  }
0x40: {  	_ =	shalt  }
0x41: {  	_ =	shalt  }
0x42: {  	_ =	shalt  }
0x43: {  	_ =	shalt  }
0x44: {  	_ =	shalt  }
0x45: {  	_ =	shalt  }
0x46: {  	_ =	shalt  }
0x47: {  	_ =	shalt  }
0x48: {  	_ =	shalt  }
0x49: {  	_ =	shalt  }
0x4a: {  	_ =	shalt  }
0x4b: {  	_ =	shalt  }
0x4c: {  	_ =	shalt  }
0x4d: {  	_ =	shalt  }
0x4e: {  	_ =	shalt  }
0x4f: {  	_ =	shalt  }
0x50: {  	_ =	shalt  }
0x51: {  	_ =	shalt  }
0x52: {  	_ =	shalt  }
0x53: {  	_ =	shalt  }
0x54: {  	_ =	shalt  }
0x55: {  	_ =	shalt  }
0x56: {  	_ =	shalt  }
0x57: {  	_ =	shalt  }
0x58: {  	_ =	shalt  }
0x59: {  	_ =	shalt  }
0x5a: {  	_ =	shalt  }
0x5b: {  	_ =	shalt  }
0x5c: {  	_ =	shalt  }
0x5d: {  	_ =	shalt  }
0x5e: {  	_ =	shalt  }
0x5f: {  	_ =	shalt  }
0x60: {  	_ =	shalt  }
0x61: {  	_ =	shalt  }
0x62: {  	_ =	shalt  }
0x63: {  	_ =	shalt  }
0x64: {  	_ =	shalt  }
0x65: {  	_ =	shalt  }
0x66: {  	_ =	shalt  }
0x67: {  	_ =	shalt  }
0x68: {  	_ =	shalt  }
0x69: {  	_ =	shalt  }
0x6a: {  	_ =	shalt  }
0x6b: {  	_ =	shalt  }
0x6c: {  	_ =	shalt  }
0x6d: {  	_ =	shalt  }
0x6e: {  	_ =	shalt  }
0x6f: {  	_ =	shalt  }
0x70: {  	_ =	shalt  }
0x71: {  	_ =	shalt  }
0x72: {  	_ =	shalt  }
0x73: {  	_ =	shalt  }
0x74: {  	_ =	shalt  }
0x75: {  	_ =	shalt  }
0x76: {  	_ =	shalt  }
0x77: {  	_ =	shalt  }
0x78: {  	_ =	shalt  }
0x79: {  	_ =	shalt  }
0x7a: {  	_ =	shalt  }
0x7b: {  	_ =	shalt  }
0x7c: {  	_ =	shalt  }
0x7d: {  	_ =	shalt  }
0x7e: {  	_ =	shalt  }
0x7f: {  	_ =	shalt  }
0x80: {  	_ =	shalt  }
0x81: {  	_ =	shalt  }
0x82: {  	_ =	shalt  }
0x83: {  	_ =	shalt  }
0x84: {  	_ =	shalt  }
0x85: {  	_ =	shalt  }
0x86: {  	_ =	shalt  }
0x87: {  	_ =	shalt  }
.Lfunc_end0:
.L_simem_size_0:
called_computation.1_lowered:
.L_overlay_start_0:
0x88: {  	s2 =	sld [smem:$0x3FD9]  }
0x89: {  	s3 =	sld [smem:$0x3FFE];
	_ =	sdelay $0x1  }
0x8a: {  	s1 =	srdreg.scid  }
0x8b: {  	s0 =	sand.u32 $0x1, s1  }
0x8c: {  	s17 =	sshll.u32 s0, $0xA;
	s2 =	sadd.s32 s3, s2  }
0x8d: {  	s2 =	sadd.s32 s2, s17  }
0x8e: {  	[smem:$0x3FBE] =	sst s2  }
0x8f: {  	_ = 	snop  }
0x90: {  	s2 =	sld [smem:$0x3FC1];
	(tm) =	ssettm $0x1  }
0x91: {  	s18 =	sld [smem:$0x3FFB];
	_ =	sdelay $0x3  }
0x92: {  	_ =	strace s18  }
0x93: {  	s3 =	sld [smem:$0x3FFC];
	_ =	sdelay $0x3  }
0x94: {  	_ =	strace s3  }
0x95: {  	s3 =	sld [smem:$0x3FFD];
	_ =	sdelay $0x3  }
0x96: {  	_ =	strace s3  }
0x97: {  	_ =	strace $0x8FFFFFFF  }
0x98: {  	s19 =	sld [smem:$0x3FDB];
	_ =	sdelay $0x1  }
0x99: {  	s4 =	simm.s32 $_scs_section_size  }
0x9a: {  	s5 =	simm.s32 $_size__tile_overlayer_lowered;
	s6 =	simm.s32 $_tile_overlayer_lowered  }
0x9b: {  	s22 =	simm.s32 $0x1BFF;
	s21 =	sshll.u32 s6, $0x1;
	s3 =	sadd.s32 s4, s19  }
0x9c: {  	s7 =	simm.s32 $0x0;
	s20 =	sshll.u32 s5, $0x1;
	s5 =	sadd.s32 s21, s3  }
0x9d: {  	[timem:s7], [sflag:s22] =	dma.local [hbm:s5], s20  }
0x9e: {  	_ =	swait.ge [sflag:s22], s20  }
0x9f: {  	s4 =	ssub.s32 $0x0, s20;
	[sflag:s22] =	ssyncset.done $0x0  }
0xa0: {  	[sflag:s22] =	ssyncadd.s32 s4;
	_ =	sdelay $0x1  }
0xa1: {  	s23 =	simm.s32 $0x1B8B  }
0xa2: {  	_ =	swait.ge [sflag:s23], $0x1  }
0xa3: {  	[sflag:s23] =	ssyncset.done $0x0  }
0xa4: {  	s25 =	simm.s32 $0x1B8E;
	s24 =	sld [smem:$0x3FFE];
	[sflag:s23] =	ssyncadd.s32 $0xFFFFFFFF  }
0xa5: {  	s26 =	simm.s32 $execute0_lowered;
	[smem:$0x3FD2] =	sst s25  }
0xa6: {  	s5 =	sshll.u32 s26, $0x1;
	_ =	strace $0x80000049;
	[dreg:$0x1] =	wrdreg $0xFFFFFFFF  }
0xa7: {  	s28 =	simm.s32 $_size_execute0_lowered;
	s3 =	sadd.s32 s3, s5;
	[dreg:$0x0] =	wrdreg $0x0  }
0xa8: {  	s5 =	sshll.u32 s28, $0x1;
	[dreg:$0x2] =	wrdreg s3  }
0xa9: {  	[dreg:$0x3] =	wrdreg s5  }
0xaa: {  	[dreg:$0x4] =	wrdreg $0xC0  }
0xab: {  	_ =	task [dreg:s7], $0x5FFFF  }
0xac: {  	[dreg:$0x1] =	wrdreg $0xFFFFFFFF  }
0xad: {  	[dreg:$0x0] =	wrdreg $0x60  }
0xae: {  	[dreg:$0x2] =	wrdreg s24  }
0xaf: {  	[dreg:$0x3] =	wrdreg s2  }
0xb0: {  	[dreg:$0x4] =	wrdreg $0x9  }
0xb1: {  	_ =	task.clear_ibuf [dreg:s7], $0x5FFFF;
	_ =	strace $0x90000049  }
0xb2: {  	s29 =	simm.s32 $0x9;
	_ =	strace $0x8000004B  }
0xb3: {  	_ =	swait.ge [sflag:s29], $0x1  }
0xb4: {  	[sflag:s29] =	ssyncadd.s32 $0xFFFFFFFF  }
0xb5: {  	_ =	strace $0x9000004B  }
0xb6: {  	_ =	sfence  }
0xb7: {  	s30 =	sld [smem:$0x0];
	_ =	sdelay $0x2  }
0xb8: {  	s31 =	sshll.u32 s1, $0xD;
	s1 =	sshrl.u32 s1, $0x2  }
0xb9: {  	s3 =	sand.u32 $0x4000, s31;
	s1 =	sadd.s32 s1, s30  }
0xba: {  	s0 =	sor.u32 s3, s0;
	s1 =	sshll.u32 s1, $0x11  }
0xbb: {  	s0 =	sor.u32 s1, s0  }
0xbc: {  	s0 =	sadd.s32 $0x8F2B, s0  }
0xbd: {  	[sflag:s0] =	ssyncadd.remote.s32 $0x1  }
0xbe: {  	_ =	sfence.sel $0xFFFF  }
0xbf: {  	[dreg:$0x0] =	wrdreg $0xFFFFFFFF;
	(pc) =	sbr.abs _section_cstart, $3  }
0xc0: {  	[dreg:$0x1] =	wrdreg $0xFFFFFFFF  }
0xc1: {  	_ =	task.clear_ibuf [dreg:s7], $0x2FFFF;
	_ =	strace $0x9FFFFFFF  }
0xc2: {  	(tm) =	ssettm $0x7FFFFFFF  }
0xc3: {  	_ =	shalt  }
tec
execute0_lowered:
.L_overlay_start_1:
0x0: {  	(tag) =	ssettag $0x1  }
0x1: {  	s0 =	rddreg [dreg:$0x0]  }
0x2: {  	s1 =	srdreg.scid;
	s10 =	stileid.u32  }
0x3: {  	s2 =	rddreg [dreg:$0x1];
	s3 =	simm.s32 $0x0;
	s14 =	simm.s32 $0xC80  }
0x4: {  	s15 =	simm.s32 $0x1900;
	s16 =	simm.s32 $0x1;
	s17 =	simm.s32 $0x80  }
0x5: {  	s19 =	simm.s32 $0x3600;
	s21 =	simm.s32 $0x3700;
	s11 =	simm.s32 $0x3780  }
0x6: {  	s23 =	simm.s32 $0x3800;
	s28 =	simm.s32 $0x3900;
	s30 =	simm.s32 $0x3980  }
0x7: {  	s12 =	simm.s32 $0x3A00;
	s13 =	simm.s32 $0x3B80;
	s1 =	sand.u32 $0x1, s1  }
0x8: {  	s4 =	sshll.u32 s10, $0x1;
	[smem:$0x7FF] =	sst s3;
	s10 =	smul.u32 $0x1900, s10  }
0x9: {  	s5 =	sor.u32 s1, s4;
	s25 =	ssub.s32 $0x2, s1;
	s1 =	smul.u32 $0xC80, s1  }
0xa: {  	s18 =	simm.s32 $0x3C00;
	_ =	strace $0x8000004A;
	s6 =	smul.u32 $0x3200, s5  }
0xb: {  	s4 =	sadd.s32 $0x2400, s0;
	s7 =	smul.u32 $0xC80, s5;
	s5 =	sadd.s32 $0x1ECE00, s0  }
0xc: {  	s8 =	sshrl.u32 s25, $0x1;
	s31 =	sadd.s32 s1, s10;
	s1 =	simm.s32 $0x0  }
0xd: {  	s10 =	simm.s32 $0x3680;
	s0 =	sadd.s32 s6, s0;
	s9 =	sshrl.u32 s7, $0x3  }
0xe: {  	s6 =	ssub.s32 s25, s8;
	[dreg:$0x7] =	wrdreg s31;
	s26 =	sadd.s32 s4, s9  }
0xf: {  	s25 =	simm.s32 $0x3880;
	s0 =	sadd.s32 $0x66400, s0;
	[dreg:$0x3] =	wrdreg s26  }
0x10: {  	s9 =	sadd.s32 $0x4B000, s7;
	s29 =	smax.u32 s6, $0x1;
	[dreg:$0x5] =	wrdreg s0  }
0x11: {  	s8 =	sadd.s32 $0x3200, s26;
	[dreg:$0x6] =	wrdreg s29;
	s0 =	simm.s32 $0x2  }
0x12: {  	v0 =	vlaneseq.u32;
	[dreg:$0x4] =	wrdreg s8;
	s8 =	sadd.s32 $0x32000, s7;
	s7 =	simm.s32 $0x3580  }
.LBB2_1:
0x13: {  	s6 =	rddreg [dreg:$0x3]  }
0x14: {  	[tilespmem:s3], [sflag:$0x2] =	stream.linear.gather [hbm4b:s6+s3], $0xC80, $0x38;
	[tilespmem:$0x1CE80] =	vst v63  }
0x15: {  	_ =	swait.ge [sflag:s0], $0xC80  }
0x16: {  	[sflag:s0] =	ssyncset.done $0x0  }
0x17: {  	s22 =	simm.s32 $0x0;
	s31 =	rddreg [dreg:$0x4];
	[sflag:s0] =	ssyncadd.s32 $0xFFFFF380  }
0x18: {  	[tilespmem:s14], [sflag:$0x1] =	stream.linear.gather [hbm4b:s31+s3], $0xC80, $0x38;
	[tilespmem:$0x1CE80] =	vst v63  }
.LBB2_2:
0x19: {  	s6 =	smul.u32 $0x32000, s22;
	_ =	sdelay $0x1  }
0x1a: {  	s20 =	sadd.s32 s6, s8  }
0x1b: {  	s20 =	sshrl.u32 s20, $0x3  }
0x1c: {  	s24 =	simm.s32 $0x0;
	s20 =	sadd.s32 s4, s20  }
0x1d: {  	[tilespmem:s15], [sflag:$0x1] =	stream.linear.gather [hbm4b:s20+s24], $0xC80, $0x38;
	[tilespmem:$0x1CE80] =	vst v63  }
0x1e: {  	_ =	swait.ge [sflag:s16], $0xC80  }
0x1f: {  	[sflag:s16] =	ssyncset.done $0x0  }
0x20: {  	s26 =	simm.s32 $0x0;
	[sflag:s16] =	ssyncadd.s32 $0xFFFFF380  }
0x21: {  	v8 =	vld [tilespmem:s26+$0xC80]  }
0x22: {  	v7 =	vld [tilespmem:s26+$0xC90]  }
0x23: {  	v6 =	vld [tilespmem:s26+$0xCA0]  }
0x24: {  	v5 =	vld [tilespmem:s26+$0xCB0]  }
0x25: {  	v4 =	vld [tilespmem:s26+$0xCC0]  }
0x26: {  	v3 =	vld [tilespmem:s26+$0xCD0]  }
0x27: {  	v2 =	vld [tilespmem:s26+$0xCE0]  }
0x28: {  	v1 =	vld [tilespmem:s26+$0xCF0]  }
0x29: {  	v14 =	vld [tilespmem:s26+$0x0]  }
0x2a: {  	v13 =	vld [tilespmem:s26+$0x10]  }
0x2b: {  	v12 =	vld [tilespmem:s26+$0x20]  }
0x2c: {  	v11 =	vld [tilespmem:s26+$0x30]  }
0x2d: {  	v10 =	vld [tilespmem:s26+$0x40]  }
0x2e: {  	v9 =	vld [tilespmem:s26+$0x50];
	vm0 =	vgt.s32 v14, v8  }
0x2f: {  	s31 =	simm.s32 $0x200;
	v14 =	vsel vm0, v14, v8;
	vm0 =	vgt.s32 v13, v7;
	v8 =	vld [tilespmem:s26+$0x60]  }
.LBB2_3:
0x30: {  	s20 =	sshra.s32 s31, $0x2;
	p0 =	sne.s32 s31, $0x3000;
	[tilespmem:s26+$0x0] =	vst v14;
	v7 =	vsel vm0, v13, v7;
	vm0 =	vgt.s32 v12, v6;
	v13 =	vld [tilespmem:s26+$0x70]  }
0x31: {  	v14 =	vld [tilespmem:s20+$0xC80];
	[tilespmem:s26+$0x10] =	vst v7;
	v6 =	vsel vm0, v12, v6;
	vm0 =	vgt.s32 v11, v5  }
0x32: {  	v7 =	vld [tilespmem:s20+$0xC90];
	[tilespmem:s26+$0x20] =	vst v6;
	v5 =	vsel vm0, v11, v5;
	vm0 =	vgt.s32 v10, v4  }
0x33: {  	v6 =	vld [tilespmem:s20+$0xCA0];
	[tilespmem:s26+$0x30] =	vst v5;
	v4 =	vsel vm0, v10, v4;
	vm0 =	vgt.s32 v9, v3  }
0x34: {  	v5 =	vld [tilespmem:s20+$0xCB0];
	[tilespmem:s26+$0x40] =	vst v4;
	v3 =	vsel vm0, v9, v3;
	vm0 =	vgt.s32 v8, v2  }
0x35: {  	v4 =	vld [tilespmem:s20+$0xCC0];
	[tilespmem:s26+$0x50] =	vst v3;
	v2 =	vsel vm0, v8, v2;
	vm0 =	vgt.s32 v13, v1  }
0x36: {  	v3 =	vld [tilespmem:s20+$0xCD0];
	[tilespmem:s26+$0x60] =	vst v2;
	v1 =	vsel vm0, v13, v1  }
0x37: {  	v2 =	vld [tilespmem:s20+$0xCE0];
	[tilespmem:s26+$0x70] =	vst v1;
	s26 =	smov.u32 s20  }
0x38: {  	v1 =	vld [tilespmem:s26+$0xCF0]  }
0x39: {  	v8 =	vld [tilespmem:s26+$0x0]  }
0x3a: {  	v13 =	vld [tilespmem:s26+$0x10]  }
.Ltmp0:
0x3b: {  	v12 =	vld [tilespmem:s26+$0x20];
	(pc) =	sbr.rel @p0 .LBB2_3-.Ltmp0, $4  }
0x3c: {  	v11 =	vld [tilespmem:s26+$0x30]  }
0x3d: {  	v10 =	vld [tilespmem:s26+$0x40]  }
0x3e: {  	vm0 =	vgt.s32 v8, v14;
	v9 =	vld [tilespmem:s26+$0x50]  }
0x3f: {  	s31 =	sadd.s32 $0x200, s31;
	v14 =	vsel vm0, v8, v14;
	vm0 =	vgt.s32 v13, v7;
	v8 =	vld [tilespmem:s26+$0x60]  }
0x40: {  	[tilespmem:s26+$0x0] =	vst v14;
	v7 =	vsel vm0, v13, v7;
	vm0 =	vgt.s32 v12, v6;
	v13 =	vld [tilespmem:s26+$0x70]  }
0x41: {  	[tilespmem:s26+$0x10] =	vst v7;
	v6 =	vsel vm0, v12, v6;
	vm0 =	vgt.s32 v11, v5  }
0x42: {  	[tilespmem:s26+$0x20] =	vst v6;
	v5 =	vsel vm0, v11, v5;
	vm0 =	vgt.s32 v10, v4  }
0x43: {  	[tilespmem:s26+$0x30] =	vst v5;
	v4 =	vsel vm0, v10, v4;
	vm0 =	vgt.s32 v9, v3  }
0x44: {  	[tilespmem:s26+$0x40] =	vst v4;
	v3 =	vsel vm0, v9, v3;
	vm0 =	vgt.s32 v8, v2  }
0x45: {  	s6 =	sadd.s32 s6, s9;
	[tilespmem:s26+$0x50] =	vst v3;
	v2 =	vsel vm0, v8, v2;
	vm0 =	vgt.s32 v13, v1  }
0x46: {  	s6 =	sshrl.u32 s6, $0x3;
	[tilespmem:s26+$0x60] =	vst v2;
	v1 =	vsel vm0, v13, v1  }
0x47: {  	s20 =	simm.s32 $0x0;
	s6 =	sadd.s32 s4, s6;
	[tilespmem:s26+$0x70] =	vst v1  }
0x48: {  	[tilespmem:s14], [sflag:$0x1] =	stream.linear.gather [hbm4b:s6+s20], $0xC80, $0x38;
	[tilespmem:$0x1CE80] =	vst v63  }
0x49: {  	_ =	swait.ge [sflag:s16], $0xC80  }
0x4a: {  	[sflag:s16] =	ssyncset.done $0x0  }
0x4b: {  	s6 =	simm.s32 $0x0;
	[sflag:s16] =	ssyncadd.s32 $0xFFFFF380  }
0x4c: {  	v8 =	vld [tilespmem:s6+$0x1900]  }
0x4d: {  	v7 =	vld [tilespmem:s6+$0x1910]  }
0x4e: {  	v6 =	vld [tilespmem:s6+$0x1920]  }
0x4f: {  	v5 =	vld [tilespmem:s6+$0x1930]  }
0x50: {  	v4 =	vld [tilespmem:s6+$0x1940]  }
0x51: {  	v3 =	vld [tilespmem:s6+$0x1950]  }
0x52: {  	v2 =	vld [tilespmem:s6+$0x1960]  }
0x53: {  	v1 =	vld [tilespmem:s6+$0x1970]  }
0x54: {  	v14 =	vld [tilespmem:s6+$0x0]  }
0x55: {  	v13 =	vld [tilespmem:s6+$0x10]  }
0x56: {  	v12 =	vld [tilespmem:s6+$0x20]  }
0x57: {  	v11 =	vld [tilespmem:s6+$0x30]  }
0x58: {  	v10 =	vld [tilespmem:s6+$0x40]  }
0x59: {  	v9 =	vld [tilespmem:s6+$0x50];
	vm0 =	vgt.s32 v14, v8  }
0x5a: {  	s26 =	simm.s32 $0x200;
	v14 =	vsel vm0, v14, v8;
	vm0 =	vgt.s32 v13, v7;
	v8 =	vld [tilespmem:s6+$0x60]  }
.LBB2_5:
0x5b: {  	s20 =	sshra.s32 s26, $0x2;
	p0 =	sne.s32 s26, $0x3000;
	[tilespmem:s6+$0x0] =	vst v14;
	v7 =	vsel vm0, v13, v7;
	vm0 =	vgt.s32 v12, v6;
	v13 =	vld [tilespmem:s6+$0x70]  }
0x5c: {  	v14 =	vld [tilespmem:s20+$0x1900];
	[tilespmem:s6+$0x10] =	vst v7;
	v6 =	vsel vm0, v12, v6;
	vm0 =	vgt.s32 v11, v5  }
0x5d: {  	v7 =	vld [tilespmem:s20+$0x1910];
	[tilespmem:s6+$0x20] =	vst v6;
	v5 =	vsel vm0, v11, v5;
	vm0 =	vgt.s32 v10, v4  }
0x5e: {  	v6 =	vld [tilespmem:s20+$0x1920];
	[tilespmem:s6+$0x30] =	vst v5;
	v4 =	vsel vm0, v10, v4;
	vm0 =	vgt.s32 v9, v3  }
0x5f: {  	v5 =	vld [tilespmem:s20+$0x1930];
	[tilespmem:s6+$0x40] =	vst v4;
	v3 =	vsel vm0, v9, v3;
	vm0 =	vgt.s32 v8, v2  }
0x60: {  	v4 =	vld [tilespmem:s20+$0x1940];
	[tilespmem:s6+$0x50] =	vst v3;
	v2 =	vsel vm0, v8, v2;
	vm0 =	vgt.s32 v13, v1  }
0x61: {  	v3 =	vld [tilespmem:s20+$0x1950];
	[tilespmem:s6+$0x60] =	vst v2;
	v1 =	vsel vm0, v13, v1  }
0x62: {  	v2 =	vld [tilespmem:s20+$0x1960];
	[tilespmem:s6+$0x70] =	vst v1;
	s6 =	smov.u32 s20  }
0x63: {  	v1 =	vld [tilespmem:s6+$0x1970]  }
0x64: {  	v8 =	vld [tilespmem:s6+$0x0]  }
0x65: {  	v13 =	vld [tilespmem:s6+$0x10]  }
.Ltmp1:
0x66: {  	v12 =	vld [tilespmem:s6+$0x20];
	(pc) =	sbr.rel @p0 .LBB2_5-.Ltmp1, $4  }
0x67: {  	v11 =	vld [tilespmem:s6+$0x30]  }
0x68: {  	v10 =	vld [tilespmem:s6+$0x40]  }
0x69: {  	vm0 =	vgt.s32 v8, v14;
	v9 =	vld [tilespmem:s6+$0x50]  }
0x6a: {  	s26 =	sadd.s32 $0x200, s26;
	v14 =	vsel vm0, v8, v14;
	vm0 =	vgt.s32 v13, v7;
	v8 =	vld [tilespmem:s6+$0x60]  }
0x6b: {  	[tilespmem:s6+$0x0] =	vst v14;
	v7 =	vsel vm0, v13, v7;
	vm10 =	vgt.s32 v12, v6;
	v63 =	vld [tilespmem:s6+$0x70]  }
0x6c: {  	s22 =	sadd.s32 $0x1, s22;
	[tilespmem:s6+$0x10] =	vst v7;
	v6 =	vsel vm10, v12, v6;
	vm11 =	vgt.s32 v11, v5  }
0x6d: {  	p0 =	sne.s32 s22, $0xF;
	[tilespmem:s6+$0x20] =	vst v6;
	v5 =	vsel vm11, v11, v5;
	vm12 =	vgt.s32 v10, v4  }
.Ltmp2:
0x6e: {  	[tilespmem:s6+$0x30] =	vst v5;
	v4 =	vsel vm12, v10, v4;
	vm13 =	vgt.s32 v9, v3;
	(pc) =	sbr.rel @p0 .LBB2_2-.Ltmp2, $4  }
0x6f: {  	[tilespmem:s6+$0x40] =	vst v4;
	v3 =	vsel vm13, v9, v3;
	vm14 =	vgt.s32 v8, v2  }
0x70: {  	[tilespmem:s6+$0x50] =	vst v3;
	v2 =	vsel vm14, v8, v2;
	vm15 =	vgt.s32 v63, v1  }
0x71: {  	[tilespmem:s6+$0x60] =	vst v2;
	v1 =	vsel vm15, v63, v1  }
0x72: {  	[tilespmem:s6+$0x70] =	vst v1  }
0x73: {  	_ =	swait.ge [sflag:s16], $0xC80  }
0x74: {  	[sflag:s16] =	ssyncset.done $0x0  }
0x75: {  	s6 =	simm.s32 $0x0;
	[sflag:s16] =	ssyncadd.s32 $0xFFFFF380  }
0x76: {  	v9 =	vld [tilespmem:s6+$0xC80]  }
0x77: {  	v7 =	vld [tilespmem:s6+$0xC90]  }
0x78: {  	v6 =	vld [tilespmem:s6+$0xCA0]  }
0x79: {  	v5 =	vld [tilespmem:s6+$0xCB0]  }
0x7a: {  	v4 =	vld [tilespmem:s6+$0xCC0]  }
0x7b: {  	v3 =	vld [tilespmem:s6+$0xCD0]  }
0x7c: {  	v2 =	vld [tilespmem:s6+$0xCE0]  }
0x7d: {  	v1 =	vld [tilespmem:s6+$0xCF0]  }
0x7e: {  	v14 =	vld [tilespmem:s6+$0x0]  }
0x7f: {  	v13 =	vld [tilespmem:s6+$0x10]  }
0x80: {  	v12 =	vld [tilespmem:s6+$0x20]  }
0x81: {  	v11 =	vld [tilespmem:s6+$0x30]  }
0x82: {  	v10 =	vld [tilespmem:s6+$0x40]  }
0x83: {  	v8 =	vld [tilespmem:s6+$0x50];
	vm0 =	vgt.s32 v14, v9  }
0x84: {  	s22 =	simm.s32 $0x0;
	s26 =	simm.s32 $0x200;
	v14 =	vsel vm0, v14, v9;
	vm0 =	vgt.s32 v13, v7;
	v9 =	vld [tilespmem:s6+$0x60]  }
.LBB2_8:
0x85: {  	s20 =	sshra.s32 s26, $0x2;
	p0 =	sne.s32 s26, $0x3000;
	[tilespmem:s6+$0x0] =	vst v14;
	v7 =	vsel vm0, v13, v7;
	vm0 =	vgt.s32 v12, v6;
	v13 =	vld [tilespmem:s6+$0x70]  }
0x86: {  	v14 =	vld [tilespmem:s20+$0xC80];
	[tilespmem:s6+$0x10] =	vst v7;
	v6 =	vsel vm0, v12, v6;
	vm0 =	vgt.s32 v11, v5  }
0x87: {  	v7 =	vld [tilespmem:s20+$0xC90];
	[tilespmem:s6+$0x20] =	vst v6;
	v5 =	vsel vm0, v11, v5;
	vm0 =	vgt.s32 v10, v4  }
0x88: {  	v6 =	vld [tilespmem:s20+$0xCA0];
	[tilespmem:s6+$0x30] =	vst v5;
	v4 =	vsel vm0, v10, v4;
	vm0 =	vgt.s32 v8, v3  }
0x89: {  	v5 =	vld [tilespmem:s20+$0xCB0];
	[tilespmem:s6+$0x40] =	vst v4;
	v3 =	vsel vm0, v8, v3;
	vm0 =	vgt.s32 v9, v2  }
0x8a: {  	v4 =	vld [tilespmem:s20+$0xCC0];
	[tilespmem:s6+$0x50] =	vst v3;
	v2 =	vsel vm0, v9, v2;
	vm0 =	vgt.s32 v13, v1  }
0x8b: {  	v3 =	vld [tilespmem:s20+$0xCD0];
	[tilespmem:s6+$0x60] =	vst v2;
	v1 =	vsel vm0, v13, v1  }
0x8c: {  	v2 =	vld [tilespmem:s20+$0xCE0];
	[tilespmem:s6+$0x70] =	vst v1;
	s6 =	smov.u32 s20  }
0x8d: {  	v1 =	vld [tilespmem:s6+$0xCF0]  }
0x8e: {  	v9 =	vld [tilespmem:s6+$0x0]  }
0x8f: {  	v13 =	vld [tilespmem:s6+$0x10]  }
.Ltmp3:
0x90: {  	v12 =	vld [tilespmem:s6+$0x20];
	(pc) =	sbr.rel @p0 .LBB2_8-.Ltmp3, $4  }
0x91: {  	v11 =	vld [tilespmem:s6+$0x30]  }
0x92: {  	v10 =	vld [tilespmem:s6+$0x40]  }
0x93: {  	vm0 =	vgt.s32 v9, v14;
	v8 =	vld [tilespmem:s6+$0x50]  }
0x94: {  	s26 =	sadd.s32 $0x200, s26;
	v14 =	vsel vm0, v9, v14;
	vm0 =	vgt.s32 v13, v7;
	v9 =	vld [tilespmem:s6+$0x60]  }
0x95: {  	[tilespmem:s6+$0x0] =	vst v14;
	v7 =	vsel vm0, v13, v7;
	vm10 =	vgt.s32 v12, v6;
	v63 =	vld [tilespmem:s6+$0x70]  }
0x96: {  	[tilespmem:s6+$0x10] =	vst v7;
	v6 =	vsel vm10, v12, v6;
	vm11 =	vgt.s32 v11, v5  }
0x97: {  	[tilespmem:s6+$0x20] =	vst v6;
	v5 =	vsel vm11, v11, v5;
	vm12 =	vgt.s32 v10, v4  }
0x98: {  	[tilespmem:s6+$0x30] =	vst v5;
	v4 =	vsel vm12, v10, v4;
	vm13 =	vgt.s32 v8, v3  }
0x99: {  	[tilespmem:s6+$0x40] =	vst v4;
	v3 =	vsel vm13, v8, v3;
	vm14 =	vgt.s32 v9, v2  }
0x9a: {  	[tilespmem:s6+$0x50] =	vst v3;
	v2 =	vsel vm14, v9, v2;
	vm15 =	vgt.s32 v63, v1  }
0x9b: {  	[dreg:$0x8] =	wrdreg s1;
	[tilespmem:s6+$0x60] =	vst v2;
	v1 =	vsel vm15, v63, v1  }
0x9c: {  	s29 =	rddreg [dreg:$0x7];
	s31 =	simm.s32 $0x0;
	[tilespmem:s6+$0x70] =	vst v1;
	s6 =	simm.s32 $0x2580  }
.LBB2_10:
0x9d: {  	v2 =	vmov s22;
	_ =	sdelay $0x3  }
0x9e: {  	s26 =	simm.s32 $0x0  }
0x9f: {  	v3 =	vld.idx.msk [tilespmem:v2+s26+$0x0 ss:$0x1], $0xffff;
	_ =	sdelay $0x1  }
0xa0: {  	v1 =	vmov s6;
	_ =	sdelay $0x2  }
0xa1: {  	v4 =	vor.u32 s29, v0;
	vm0 =	vlt.s32 v3, $0x0  }
0xa2: {  	v3 =	vsel vm0, v4, v3  }
0xa3: {  	s20 =	simm.s32 $0x10;
	s24 =	simm.s32 $0x80;
	[tilespmem:v1+s26+$0x0 ss:$0x1] =	vst.idx.msk $0xffff, v3;
	s26 =	smov.u32 s29  }
.LBB2_11:
0xa4: {  	p0 =	sne.s32 s24, $0x1C0;
	v3 =	vld.idx.msk [tilespmem:v2+s20+$0x0 ss:$0x1], $0xffff;
	_ =	sdelay $0x3  }
.Ltmp4:
0xa5: {  	(pc) =	sbr.rel @p0 .LBB2_11-.Ltmp4, $4  }
0xa6: {  	s26 =	sadd.s32 $0x10, s26  }
0xa7: {  	v4 =	vor.u32 s26, v0;
	vm0 =	vlt.s32 v3, $0x0  }
0xa8: {  	v3 =	vsel vm0, v4, v3  }
0xa9: {  	[tilespmem:v1+s20+$0x0 ss:$0x1] =	vst.idx.msk $0xffff, v3;
	s20 =	sshra.s32 s24, $0x2;
	s24 =	sadd.s32 $0x40, s24  }
0xaa: {  	_ =	sdelay $0x3  }
0xab: {  	v2 =	vld.idx.msk [tilespmem:v2+s20+$0x0 ss:$0x1], $0xffff  }
0xac: {  	s31 =	sadd.s32 $0x1, s31  }
0xad: {  	p0 =	sne.s32 s31, $0x19  }
.Ltmp5:
0xae: {  	_ = 	snop;
	(pc) =	sbr.rel @p0 .LBB2_10-.Ltmp5, $4  }
0xaf: {  	s24 =	sadd.s32 $0x10, s26  }
0xb0: {  	v3 =	vor.u32 s24, v0;
	vm0 =	vlt.s32 v2, $0x0  }
0xb1: {  	v2 =	vsel vm0, v3, v2  }
0xb2: {  	s6 =	sadd.s32 $0x80, s6;
	s22 =	sadd.s32 $0x80, s22;
	s29 =	sadd.s32 $0x80, s29;
	[tilespmem:v1+s20+$0x0 ss:$0x1] =	vst.idx.msk $0xffff, v2  }
0xb3: {  	s6 =	simm.s32 $0x2580;
	s20 =	simm.s32 $0x3200  }
0xb4: {  	[tilespmem:s20], [sflag:$0x1] =	stream.indirect.gather [hbm4b:s2+s17], $0x1, s6, s17, $0xb8;
	[tilespmem:$0x1CE80] =	vst v63  }
0xb5: {  	s26 =	simm.s32 $0x2600;
	s22 =	simm.s32 $0x3280  }
0xb6: {  	[tilespmem:s22], [sflag:$0x1] =	stream.indirect.gather [hbm4b:s2+s17], $0x1, s26, s17, $0xb8;
	[tilespmem:$0x1CE80] =	vst v63  }
0xb7: {  	s29 =	simm.s32 $0x2680;
	s24 =	simm.s32 $0x3300  }
0xb8: {  	[tilespmem:s24], [sflag:$0x1] =	stream.indirect.gather [hbm4b:s2+s17], $0x1, s29, s17, $0xb8;
	[tilespmem:$0x1CE80] =	vst v63  }
0xb9: {  	s31 =	simm.s32 $0x2700;
	s26 =	simm.s32 $0x3380  }
0xba: {  	[tilespmem:s26], [sflag:$0x1] =	stream.indirect.gather [hbm4b:s2+s17], $0x1, s31, s17, $0xb8;
	[tilespmem:$0x1CE80] =	vst v63  }
0xbb: {  	s0 =	simm.s32 $0x2780;
	s29 =	simm.s32 $0x3400  }
0xbc: {  	[tilespmem:s29], [sflag:$0x1] =	stream.indirect.gather [hbm4b:s2+s17], $0x1, s0, s17, $0xb8;
	[tilespmem:$0x1CE80] =	vst v63  }
0xbd: {  	s1 =	simm.s32 $0x2800;
	s31 =	simm.s32 $0x3480  }
0xbe: {  	[tilespmem:s31], [sflag:$0x1] =	stream.indirect.gather [hbm4b:s2+s17], $0x1, s1, s17, $0xb8;
	[tilespmem:$0x1CE80] =	vst v63  }
0xbf: {  	s3 =	simm.s32 $0x2880;
	s0 =	simm.s32 $0x3500  }
0xc0: {  	[tilespmem:s0], [sflag:$0x1] =	stream.indirect.gather [hbm4b:s2+s17], $0x1, s3, s17, $0xb8;
	[tilespmem:$0x1CE80] =	vst v63  }
0xc1: {  	s1 =	simm.s32 $0x2900  }
0xc2: {  	[tilespmem:s7], [sflag:$0x1] =	stream.indirect.gather [hbm4b:s2+s17], $0x1, s1, s17, $0xb8;
	[tilespmem:$0x1CE80] =	vst v63  }
0xc3: {  	s3 =	simm.s32 $0x2980  }
0xc4: {  	[tilespmem:s19], [sflag:$0x1] =	stream.indirect.gather [hbm4b:s2+s17], $0x1, s3, s17, $0xb8;
	[tilespmem:$0x1CE80] =	vst v63  }
0xc5: {  	s0 =	simm.s32 $0x2A00  }
0xc6: {  	[tilespmem:s10], [sflag:$0x1] =	stream.indirect.gather [hbm4b:s2+s17], $0x1, s0, s17, $0xb8;
	[tilespmem:$0x1CE80] =	vst v63  }
0xc7: {  	s1 =	simm.s32 $0x2A80  }
0xc8: {  	[tilespmem:s21], [sflag:$0x1] =	stream.indirect.gather [hbm4b:s2+s17], $0x1, s1, s17, $0xb8;
	[tilespmem:$0x1CE80] =	vst v63  }
0xc9: {  	s3 =	simm.s32 $0x2B00  }
0xca: {  	[tilespmem:s11], [sflag:$0x1] =	stream.indirect.gather [hbm4b:s2+s17], $0x1, s3, s17, $0xb8;
	[tilespmem:$0x1CE80] =	vst v63  }
0xcb: {  	s0 =	simm.s32 $0x2B80  }
0xcc: {  	[tilespmem:s23], [sflag:$0x1] =	stream.indirect.gather [hbm4b:s2+s17], $0x1, s0, s17, $0xb8;
	[tilespmem:$0x1CE80] =	vst v63  }
0xcd: {  	s1 =	simm.s32 $0x2C00  }
0xce: {  	[tilespmem:s25], [sflag:$0x1] =	stream.indirect.gather [hbm4b:s2+s17], $0x1, s1, s17, $0xb8;
	[tilespmem:$0x1CE80] =	vst v63  }
0xcf: {  	s3 =	simm.s32 $0x2C80  }
0xd0: {  	[tilespmem:s28], [sflag:$0x1] =	stream.indirect.gather [hbm4b:s2+s17], $0x1, s3, s17, $0xb8;
	[tilespmem:$0x1CE80] =	vst v63  }
0xd1: {  	s0 =	simm.s32 $0x2D00  }
0xd2: {  	[tilespmem:s30], [sflag:$0x1] =	stream.indirect.gather [hbm4b:s2+s17], $0x1, s0, s17, $0xb8;
	[tilespmem:$0x1CE80] =	vst v63  }
0xd3: {  	s1 =	simm.s32 $0x2D80  }
0xd4: {  	[tilespmem:s12], [sflag:$0x1] =	stream.indirect.gather [hbm4b:s2+s17], $0x1, s1, s17, $0xb8;
	[tilespmem:$0x1CE80] =	vst v63  }
0xd5: {  	s3 =	simm.s32 $0x2E00;
	s1 =	simm.s32 $0x3A80  }
0xd6: {  	[tilespmem:s1], [sflag:$0x1] =	stream.indirect.gather [hbm4b:s2+s17], $0x1, s3, s17, $0xb8;
	[tilespmem:$0x1CE80] =	vst v63  }
0xd7: {  	s0 =	simm.s32 $0x2E80;
	s3 =	simm.s32 $0x3B00  }
0xd8: {  	[tilespmem:s3], [sflag:$0x1] =	stream.indirect.gather [hbm4b:s2+s17], $0x1, s0, s17, $0xb8;
	[tilespmem:$0x1CE80] =	vst v63  }
0xd9: {  	s0 =	simm.s32 $0x2F00  }
0xda: {  	[tilespmem:s13], [sflag:$0x1] =	stream.indirect.gather [hbm4b:s2+s17], $0x1, s0, s17, $0xb8;
	[tilespmem:$0x1CE80] =	vst v63  }
0xdb: {  	s0 =	simm.s32 $0x2F80  }
0xdc: {  	[tilespmem:s18], [sflag:$0x1] =	stream.indirect.gather [hbm4b:s2+s17], $0x1, s0, s17, $0xb8;
	[tilespmem:$0x1CE80] =	vst v63  }
0xdd: {  	s6 =	simm.s32 $0x3000;
	s0 =	simm.s32 $0x3C80  }
0xde: {  	[tilespmem:s0], [sflag:$0x1] =	stream.indirect.gather [hbm4b:s2+s17], $0x1, s6, s17, $0xb8;
	[tilespmem:$0x1CE80] =	vst v63  }
0xdf: {  	s6 =	simm.s32 $0x3080;
	s0 =	simm.s32 $0x3D00  }
0xe0: {  	[tilespmem:s0], [sflag:$0x1] =	stream.indirect.gather [hbm4b:s2+s17], $0x1, s6, s17, $0xb8;
	[tilespmem:$0x1CE80] =	vst v63  }
0xe1: {  	s6 =	simm.s32 $0x3100;
	s0 =	simm.s32 $0x3D80  }
0xe2: {  	[tilespmem:s0], [sflag:$0x1] =	stream.indirect.gather [hbm4b:s2+s17], $0x1, s6, s17, $0xb8;
	[tilespmem:$0x1CE80] =	vst v63  }
0xe3: {  	s6 =	simm.s32 $0x3180;
	s0 =	simm.s32 $0x3E00  }
0xe4: {  	[tilespmem:s0], [sflag:$0x1] =	stream.indirect.gather [hbm4b:s2+s17], $0x1, s6, s17, $0xb8;
	[tilespmem:$0x1CE80] =	vst v63  }
0xe5: {  	_ =	swait.ge [sflag:s16], $0x80  }
0xe6: {  	[sflag:s16] =	ssyncset.done $0x0  }
0xe7: {  	[sflag:s16] =	ssyncadd.s32 $0xFFFFFF80  }
0xe8: {  	_ =	swait.ge [sflag:s16], $0x80  }
0xe9: {  	[sflag:s16] =	ssyncset.done $0x0  }
0xea: {  	[sflag:s16] =	ssyncadd.s32 $0xFFFFFF80  }
0xeb: {  	_ =	swait.ge [sflag:s16], $0x80  }
0xec: {  	[sflag:s16] =	ssyncset.done $0x0  }
0xed: {  	[sflag:s16] =	ssyncadd.s32 $0xFFFFFF80  }
0xee: {  	_ =	swait.ge [sflag:s16], $0x80  }
0xef: {  	[sflag:s16] =	ssyncset.done $0x0  }
0xf0: {  	[sflag:s16] =	ssyncadd.s32 $0xFFFFFF80  }
0xf1: {  	_ =	swait.ge [sflag:s16], $0x80  }
0xf2: {  	[sflag:s16] =	ssyncset.done $0x0  }
0xf3: {  	[sflag:s16] =	ssyncadd.s32 $0xFFFFFF80  }
0xf4: {  	_ =	swait.ge [sflag:s16], $0x80  }
0xf5: {  	[sflag:s16] =	ssyncset.done $0x0  }
0xf6: {  	[sflag:s16] =	ssyncadd.s32 $0xFFFFFF80  }
0xf7: {  	_ =	swait.ge [sflag:s16], $0x80  }
0xf8: {  	[sflag:s16] =	ssyncset.done $0x0  }
0xf9: {  	[sflag:s16] =	ssyncadd.s32 $0xFFFFFF80  }
0xfa: {  	_ =	swait.ge [sflag:s16], $0x80  }
0xfb: {  	[sflag:s16] =	ssyncset.done $0x0  }
0xfc: {  	[sflag:s16] =	ssyncadd.s32 $0xFFFFFF80  }
0xfd: {  	_ =	swait.ge [sflag:s16], $0x80  }
0xfe: {  	[sflag:s16] =	ssyncset.done $0x0  }
0xff: {  	[sflag:s16] =	ssyncadd.s32 $0xFFFFFF80  }
0x100: {  	_ =	swait.ge [sflag:s16], $0x80  }
0x101: {  	[sflag:s16] =	ssyncset.done $0x0  }
0x102: {  	[sflag:s16] =	ssyncadd.s32 $0xFFFFFF80  }
0x103: {  	_ =	swait.ge [sflag:s16], $0x80  }
0x104: {  	[sflag:s16] =	ssyncset.done $0x0  }
0x105: {  	[sflag:s16] =	ssyncadd.s32 $0xFFFFFF80  }
0x106: {  	_ =	swait.ge [sflag:s16], $0x80  }
0x107: {  	[sflag:s16] =	ssyncset.done $0x0  }
0x108: {  	[sflag:s16] =	ssyncadd.s32 $0xFFFFFF80  }
0x109: {  	_ =	swait.ge [sflag:s16], $0x80  }
0x10a: {  	[sflag:s16] =	ssyncset.done $0x0  }
0x10b: {  	[sflag:s16] =	ssyncadd.s32 $0xFFFFFF80  }
0x10c: {  	_ =	swait.ge [sflag:s16], $0x80  }
0x10d: {  	[sflag:s16] =	ssyncset.done $0x0  }
0x10e: {  	[sflag:s16] =	ssyncadd.s32 $0xFFFFFF80  }
0x10f: {  	_ =	swait.ge [sflag:s16], $0x80  }
0x110: {  	[sflag:s16] =	ssyncset.done $0x0  }
0x111: {  	[sflag:s16] =	ssyncadd.s32 $0xFFFFFF80  }
0x112: {  	_ =	swait.ge [sflag:s16], $0x80  }
0x113: {  	[sflag:s16] =	ssyncset.done $0x0  }
0x114: {  	[sflag:s16] =	ssyncadd.s32 $0xFFFFFF80  }
0x115: {  	_ =	swait.ge [sflag:s16], $0x80  }
0x116: {  	[sflag:s16] =	ssyncset.done $0x0  }
0x117: {  	[sflag:s16] =	ssyncadd.s32 $0xFFFFFF80  }
0x118: {  	_ =	swait.ge [sflag:s16], $0x80  }
0x119: {  	[sflag:s16] =	ssyncset.done $0x0  }
0x11a: {  	[sflag:s16] =	ssyncadd.s32 $0xFFFFFF80  }
0x11b: {  	_ =	swait.ge [sflag:s16], $0x80  }
0x11c: {  	[sflag:s16] =	ssyncset.done $0x0  }
0x11d: {  	[sflag:s16] =	ssyncadd.s32 $0xFFFFFF80  }
0x11e: {  	_ =	swait.ge [sflag:s16], $0x80  }
0x11f: {  	[sflag:s16] =	ssyncset.done $0x0  }
0x120: {  	[sflag:s16] =	ssyncadd.s32 $0xFFFFFF80  }
0x121: {  	_ =	swait.ge [sflag:s16], $0x80  }
0x122: {  	[sflag:s16] =	ssyncset.done $0x0  }
0x123: {  	[sflag:s16] =	ssyncadd.s32 $0xFFFFFF80  }
0x124: {  	_ =	swait.ge [sflag:s16], $0x80  }
0x125: {  	[sflag:s16] =	ssyncset.done $0x0  }
0x126: {  	[sflag:s16] =	ssyncadd.s32 $0xFFFFFF80  }
0x127: {  	_ =	swait.ge [sflag:s16], $0x80  }
0x128: {  	[sflag:s16] =	ssyncset.done $0x0  }
0x129: {  	[sflag:s16] =	ssyncadd.s32 $0xFFFFFF80  }
0x12a: {  	_ =	swait.ge [sflag:s16], $0x80  }
0x12b: {  	[sflag:s16] =	ssyncset.done $0x0  }
0x12c: {  	[sflag:s16] =	ssyncadd.s32 $0xFFFFFF80  }
0x12d: {  	_ =	swait.ge [sflag:s16], $0x80  }
0x12e: {  	[sflag:s16] =	ssyncset.done $0x0  }
0x12f: {  	s0 =	simm.s32 $0x3E80;
	[sflag:s16] =	ssyncadd.s32 $0xFFFFFF80  }
0x130: {  	[tilespmem:s0], [sflag:$0x1] =	stream.indirect.gather [hbm4b:s5+s17], $0x20, s20, s17, $0xb8;
	[tilespmem:$0x1CE80] =	vst v63  }
0x131: {  	s0 =	simm.s32 $0x4E80  }
0x132: {  	[tilespmem:s0], [sflag:$0x1] =	stream.indirect.gather [hbm4b:s5+s17], $0x20, s22, s17, $0xb8;
	[tilespmem:$0x1CE80] =	vst v63  }
0x133: {  	s0 =	simm.s32 $0x5E80  }
0x134: {  	[tilespmem:s0], [sflag:$0x1] =	stream.indirect.gather [hbm4b:s5+s17], $0x20, s24, s17, $0xb8;
	[tilespmem:$0x1CE80] =	vst v63  }
0x135: {  	s22 =	simm.s32 $0x6E80  }
0x136: {  	[tilespmem:s22], [sflag:$0x1] =	stream.indirect.gather [hbm4b:s5+s17], $0x20, s26, s17, $0xb8;
	[tilespmem:$0x1CE80] =	vst v63  }
0x137: {  	s24 =	simm.s32 $0x7E80  }
0x138: {  	[tilespmem:s24], [sflag:$0x1] =	stream.indirect.gather [hbm4b:s5+s17], $0x20, s29, s17, $0xb8;
	[tilespmem:$0x1CE80] =	vst v63  }
0x139: {  	s26 =	simm.s32 $0x8E80  }
0x13a: {  	[tilespmem:s26], [sflag:$0x1] =	stream.indirect.gather [hbm4b:s5+s17], $0x20, s31, s17, $0xb8;
	[tilespmem:$0x1CE80] =	vst v63  }
0x13b: {  	s29 =	simm.s32 $0x9E80;
	s31 =	simm.s32 $0x3500  }
0x13c: {  	[tilespmem:s29], [sflag:$0x1] =	stream.indirect.gather [hbm4b:s5+s17], $0x20, s31, s17, $0xb8;
	[tilespmem:$0x1CE80] =	vst v63  }
0x13d: {  	s22 =	simm.s32 $0xAE80  }
0x13e: {  	[tilespmem:s22], [sflag:$0x1] =	stream.indirect.gather [hbm4b:s5+s17], $0x20, s7, s17, $0xb8;
	[tilespmem:$0x1CE80] =	vst v63  }
0x13f: {  	s24 =	simm.s32 $0xBE80  }
0x140: {  	[tilespmem:s24], [sflag:$0x1] =	stream.indirect.gather [hbm4b:s5+s17], $0x20, s19, s17, $0xb8;
	[tilespmem:$0x1CE80] =	vst v63  }
0x141: {  	s26 =	simm.s32 $0xCE80  }
0x142: {  	[tilespmem:s26], [sflag:$0x1] =	stream.indirect.gather [hbm4b:s5+s17], $0x20, s10, s17, $0xb8;
	[tilespmem:$0x1CE80] =	vst v63  }
0x143: {  	s29 =	simm.s32 $0xDE80  }
0x144: {  	[tilespmem:s29], [sflag:$0x1] =	stream.indirect.gather [hbm4b:s5+s17], $0x20, s21, s17, $0xb8;
	[tilespmem:$0x1CE80] =	vst v63  }
0x145: {  	s31 =	simm.s32 $0xEE80  }
0x146: {  	[tilespmem:s31], [sflag:$0x1] =	stream.indirect.gather [hbm4b:s5+s17], $0x20, s11, s17, $0xb8;
	[tilespmem:$0x1CE80] =	vst v63  }
0x147: {  	s6 =	simm.s32 $0xFE80  }
0x148: {  	[tilespmem:s6], [sflag:$0x1] =	stream.indirect.gather [hbm4b:s5+s17], $0x20, s23, s17, $0xb8;
	[tilespmem:$0x1CE80] =	vst v63  }
0x149: {  	s22 =	simm.s32 $0x10E80  }
0x14a: {  	[tilespmem:s22], [sflag:$0x1] =	stream.indirect.gather [hbm4b:s5+s17], $0x20, s25, s17, $0xb8;
	[tilespmem:$0x1CE80] =	vst v63  }
0x14b: {  	s24 =	simm.s32 $0x11E80  }
0x14c: {  	[tilespmem:s24], [sflag:$0x1] =	stream.indirect.gather [hbm4b:s5+s17], $0x20, s28, s17, $0xb8;
	[tilespmem:$0x1CE80] =	vst v63  }
0x14d: {  	s26 =	simm.s32 $0x12E80  }
0x14e: {  	[tilespmem:s26], [sflag:$0x1] =	stream.indirect.gather [hbm4b:s5+s17], $0x20, s30, s17, $0xb8;
	[tilespmem:$0x1CE80] =	vst v63  }
0x14f: {  	s29 =	simm.s32 $0x13E80  }
0x150: {  	[tilespmem:s29], [sflag:$0x1] =	stream.indirect.gather [hbm4b:s5+s17], $0x20, s12, s17, $0xb8;
	[tilespmem:$0x1CE80] =	vst v63  }
0x151: {  	s31 =	simm.s32 $0x14E80  }
0x152: {  	[tilespmem:s31], [sflag:$0x1] =	stream.indirect.gather [hbm4b:s5+s17], $0x20, s1, s17, $0xb8;
	[tilespmem:$0x1CE80] =	vst v63  }
0x153: {  	s1 =	simm.s32 $0x15E80  }
0x154: {  	[tilespmem:s1], [sflag:$0x1] =	stream.indirect.gather [hbm4b:s5+s17], $0x20, s3, s17, $0xb8;
	[tilespmem:$0x1CE80] =	vst v63  }
0x155: {  	s6 =	simm.s32 $0x16E80  }
0x156: {  	[tilespmem:s6], [sflag:$0x1] =	stream.indirect.gather [hbm4b:s5+s17], $0x20, s13, s17, $0xb8;
	[tilespmem:$0x1CE80] =	vst v63  }
0x157: {  	s22 =	simm.s32 $0x17E80  }
0x158: {  	[tilespmem:s22], [sflag:$0x1] =	stream.indirect.gather [hbm4b:s5+s17], $0x20, s18, s17, $0xb8;
	[tilespmem:$0x1CE80] =	vst v63  }
0x159: {  	s24 =	simm.s32 $0x18E80;
	s26 =	simm.s32 $0x3C80  }
0x15a: {  	[tilespmem:s24], [sflag:$0x1] =	stream.indirect.gather [hbm4b:s5+s17], $0x20, s26, s17, $0xb8;
	[tilespmem:$0x1CE80] =	vst v63  }
0x15b: {  	s29 =	simm.s32 $0x19E80;
	s31 =	simm.s32 $0x3D00  }
0x15c: {  	[tilespmem:s29], [sflag:$0x1] =	stream.indirect.gather [hbm4b:s5+s17], $0x20, s31, s17, $0xb8;
	[tilespmem:$0x1CE80] =	vst v63  }
0x15d: {  	s3 =	simm.s32 $0x1AE80;
	s6 =	simm.s32 $0x3D80  }
0x15e: {  	[tilespmem:s3], [sflag:$0x1] =	stream.indirect.gather [hbm4b:s5+s17], $0x20, s6, s17, $0xb8;
	[tilespmem:$0x1CE80] =	vst v63  }
0x15f: {  	s22 =	simm.s32 $0x1BE80;
	s24 =	simm.s32 $0x3E00  }
0x160: {  	[tilespmem:s22], [sflag:$0x1] =	stream.indirect.gather [hbm4b:s5+s17], $0x20, s24, s17, $0xb8;
	[tilespmem:$0x1CE80] =	vst v63  }
0x161: {  	_ =	swait.ge [sflag:s16], $0x1000  }
0x162: {  	[sflag:s16] =	ssyncset.done $0x0  }
0x163: {  	[sflag:s16] =	ssyncadd.s32 $0xFFFFF000  }
0x164: {  	_ =	swait.ge [sflag:s16], $0x1000  }
0x165: {  	[sflag:s16] =	ssyncset.done $0x0  }
0x166: {  	[sflag:s16] =	ssyncadd.s32 $0xFFFFF000  }
0x167: {  	_ =	swait.ge [sflag:s16], $0x1000  }
0x168: {  	[sflag:s16] =	ssyncset.done $0x0  }
0x169: {  	[sflag:s16] =	ssyncadd.s32 $0xFFFFF000  }
0x16a: {  	_ =	swait.ge [sflag:s16], $0x1000  }
0x16b: {  	[sflag:s16] =	ssyncset.done $0x0  }
0x16c: {  	[sflag:s16] =	ssyncadd.s32 $0xFFFFF000  }
0x16d: {  	_ =	swait.ge [sflag:s16], $0x1000  }
0x16e: {  	[sflag:s16] =	ssyncset.done $0x0  }
0x16f: {  	[sflag:s16] =	ssyncadd.s32 $0xFFFFF000  }
0x170: {  	_ =	swait.ge [sflag:s16], $0x1000  }
0x171: {  	[sflag:s16] =	ssyncset.done $0x0  }
0x172: {  	[sflag:s16] =	ssyncadd.s32 $0xFFFFF000  }
0x173: {  	_ =	swait.ge [sflag:s16], $0x1000  }
0x174: {  	[sflag:s16] =	ssyncset.done $0x0  }
0x175: {  	[sflag:s16] =	ssyncadd.s32 $0xFFFFF000  }
0x176: {  	_ =	swait.ge [sflag:s16], $0x1000  }
0x177: {  	[sflag:s16] =	ssyncset.done $0x0  }
0x178: {  	[sflag:s16] =	ssyncadd.s32 $0xFFFFF000  }
0x179: {  	_ =	swait.ge [sflag:s16], $0x1000  }
0x17a: {  	[sflag:s16] =	ssyncset.done $0x0  }
0x17b: {  	[sflag:s16] =	ssyncadd.s32 $0xFFFFF000  }
0x17c: {  	_ =	swait.ge [sflag:s16], $0x1000  }
0x17d: {  	[sflag:s16] =	ssyncset.done $0x0  }
0x17e: {  	[sflag:s16] =	ssyncadd.s32 $0xFFFFF000  }
0x17f: {  	_ =	swait.ge [sflag:s16], $0x1000  }
0x180: {  	[sflag:s16] =	ssyncset.done $0x0  }
0x181: {  	[sflag:s16] =	ssyncadd.s32 $0xFFFFF000  }
0x182: {  	_ =	swait.ge [sflag:s16], $0x1000  }
0x183: {  	[sflag:s16] =	ssyncset.done $0x0  }
0x184: {  	[sflag:s16] =	ssyncadd.s32 $0xFFFFF000  }
0x185: {  	_ =	swait.ge [sflag:s16], $0x1000  }
0x186: {  	[sflag:s16] =	ssyncset.done $0x0  }
0x187: {  	[sflag:s16] =	ssyncadd.s32 $0xFFFFF000  }
0x188: {  	_ =	swait.ge [sflag:s16], $0x1000  }
0x189: {  	[sflag:s16] =	ssyncset.done $0x0  }
0x18a: {  	[sflag:s16] =	ssyncadd.s32 $0xFFFFF000  }
0x18b: {  	_ =	swait.ge [sflag:s16], $0x1000  }
0x18c: {  	[sflag:s16] =	ssyncset.done $0x0  }
0x18d: {  	[sflag:s16] =	ssyncadd.s32 $0xFFFFF000  }
0x18e: {  	_ =	swait.ge [sflag:s16], $0x1000  }
0x18f: {  	[sflag:s16] =	ssyncset.done $0x0  }
0x190: {  	[sflag:s16] =	ssyncadd.s32 $0xFFFFF000  }
0x191: {  	_ =	swait.ge [sflag:s16], $0x1000  }
0x192: {  	[sflag:s16] =	ssyncset.done $0x0  }
0x193: {  	[sflag:s16] =	ssyncadd.s32 $0xFFFFF000  }
0x194: {  	_ =	swait.ge [sflag:s16], $0x1000  }
0x195: {  	[sflag:s16] =	ssyncset.done $0x0  }
0x196: {  	[sflag:s16] =	ssyncadd.s32 $0xFFFFF000  }
0x197: {  	_ =	swait.ge [sflag:s16], $0x1000  }
0x198: {  	[sflag:s16] =	ssyncset.done $0x0  }
0x199: {  	[sflag:s16] =	ssyncadd.s32 $0xFFFFF000  }
0x19a: {  	_ =	swait.ge [sflag:s16], $0x1000  }
0x19b: {  	[sflag:s16] =	ssyncset.done $0x0  }
0x19c: {  	[sflag:s16] =	ssyncadd.s32 $0xFFFFF000  }
0x19d: {  	_ =	swait.ge [sflag:s16], $0x1000  }
0x19e: {  	[sflag:s16] =	ssyncset.done $0x0  }
0x19f: {  	[sflag:s16] =	ssyncadd.s32 $0xFFFFF000  }
0x1a0: {  	_ =	swait.ge [sflag:s16], $0x1000  }
0x1a1: {  	[sflag:s16] =	ssyncset.done $0x0  }
0x1a2: {  	[sflag:s16] =	ssyncadd.s32 $0xFFFFF000  }
0x1a3: {  	_ =	swait.ge [sflag:s16], $0x1000  }
0x1a4: {  	[sflag:s16] =	ssyncset.done $0x0  }
0x1a5: {  	[sflag:s16] =	ssyncadd.s32 $0xFFFFF000  }
0x1a6: {  	_ =	swait.ge [sflag:s16], $0x1000  }
0x1a7: {  	[sflag:s16] =	ssyncset.done $0x0  }
0x1a8: {  	[sflag:s16] =	ssyncadd.s32 $0xFFFFF000  }
0x1a9: {  	_ =	swait.ge [sflag:s16], $0x1000  }
0x1aa: {  	s20 =	simm.s32 $0x3E80;
	s0 =	simm.s32 $0x2;
	[sflag:s16] =	ssyncset.done $0x0  }
0x1ab: {  	s3 =	simm.s32 $0x0;
	s26 =	rddreg [dreg:$0x5];
	[sflag:s16] =	ssyncadd.s32 $0xFFFFF000  }
0x1ac: {  	[hbm4b:s26+s3] =	stream.linear.scatter [tilespmem:s20], [sflag:$0x2], $0x19000, $0x38;
	[tilespmem:$0x1CE80] =	vst v63  }
0x1ad: {  	_ =	swait.ge [sflag:s0], $0x19000  }
0x1ae: {  	s29 =	rddreg [dreg:$0x8]  }
0x1af: {  	s31 =	rddreg [dreg:$0x6];
	s1 =	sadd.s32 $0x1, s29  }
0x1b0: {  	p0 =	sne.s32 s1, s31  }
.Ltmp6:
0x1b1: {  	_ = 	snop;
	(pc) =	sbr.rel @p0 .LBB2_1-.Ltmp6, $3  }
0x1b2: {  	_ =	sdelay $0x1  }
0x1b3: {  	[sflag:s0] =	ssyncset.done $0x0  }
0x1b4: {  	[sflag:s0] =	ssyncadd.s32 $0xFFFE7000  }
0x1b5: {  	_ =	sfence.sel $0x180000  }
0x1b6: {  	[bflag:$0x0] =	sbarrier.arrive $0xFFFF  }
0x1b7: {  	_ =	strace $0x9000004A  }
0x1b8: {  	s0 =	stileid.u32;
	[bflag:$0x2] =	sbarrier.arrive $0xFFFF  }
0x1b9: {  	p0 =	sne.s32 s0, $0x0;
	s0 =	rddreg [dreg:$0x2]  }
0x1ba: {  	s0 =	sadd.s32 @!p0 $0x100000, s0  }
0x1bb: {  	[sflag:s0] =	ssyncadd.tile.s32 @!p0 $0x1;
	_ =	shalt  }
.Lfunc_end2:
_tile_overlayer_lowered:
.L_overlay_start_2:
0x1bc: {  	(tag) =	ssettag $0x2  }
0x1bd: {  	s0 =	rddreg [dreg:$0x0];
	s2 =	stileid.u32  }
0x1be: {  	s1 =	rddreg [dreg:$0x1];
	p0 =	sne.s32 s2, $0x0  }
0x1bf: {  	s3 =	rddreg [dreg:$0x2];
	[bflag:$0x3] =	sbarrier.arrive $0xFFFF;
	s2 =	simm.s32 @!p0 $0x1C02  }
0x1c0: {  	[timem:s3], [sflag:s2] =	dma.local @!p0 [hbm:s0], s1  }
0x1c1: {  	s0 =	simm.s32 @!p0 $0x2  }
0x1c2: {  	_ =	swait.ge @!p0 [sflag:s0], s1  }
0x1c3: {  	s1 =	ssub.s32 @!p0 $0x0, s1;
	[sflag:s0] =	ssyncset.done @!p0 $0x0  }
0x1c4: {  	[sflag:s0] =	ssyncadd.s32 @!p0 s1  }
0x1c5: {  	[bflag:$0x3] =	sbarrier.arrive $0xFFFF  }
0x1c6: {  	_ =	shalt  }

</sc_bundles>
